<compile_context>
chip_gen: v7x
topology: tpu7x:2x2x1
jax: 0.10.2.dev20260603
libtpu: 0.0.44.dev20260713+nightly
codegen_flags: <defaults>
</compile_context>

<pallas_src>
import functools

import jax
import jax.numpy as jnp
from jax import lax
from jax.experimental import pallas as pl
from jax.experimental.pallas import tpu as pltpu
from jax.experimental.pallas import tpu_sc as plsc

_N = 10000
_E = 320000
_D = 128
_NP = 10240
_NW = 32
_B = 128
_CPT = 79
_EP = _NW * _CPT * _B
_RPT = _NP // 16

_mesh = plsc.VectorSubcoreMesh(core_axis_name="c", subcore_axis_name="s")


@functools.partial(
    pl.kernel,
    out_type=jax.ShapeDtypeStruct((2, _NP), jnp.float32),
    mesh=_mesh,
    scratch_types=[
        pltpu.VMEM((_CPT, _B), jnp.int32),
        pltpu.VMEM((_CPT, _B), jnp.float32),
        pltpu.VMEM((_RPT,), jnp.float32),
        pltpu.VMEM_SHARED((_NP,), jnp.float32),
    ],
)
def _deg_kernel(dst_hbm, w_hbm, out_hbm, dst_v, w_v, buf_v, deg_sh):
    c = lax.axis_index("c")
    s = lax.axis_index("s")
    wid = c * 16 + s

    def _z(i, _):
        buf_v[pl.ds(i * 16, 16)] = jnp.zeros((16,), jnp.float32)
        return 0
    lax.fori_loop(0, _RPT // 16, _z, 0)
    pltpu.sync_copy(buf_v, deg_sh.at[pl.ds(s * _RPT, _RPT)])
    pltpu.sync_copy(deg_sh.at[pl.ds(s * _RPT, _RPT)], buf_v)
    plsc.subcore_barrier()

    pltpu.sync_copy(dst_hbm.at[wid], dst_v)
    pltpu.sync_copy(w_hbm.at[wid], w_v)

    def _scatter(j, _):
        pltpu.sync_copy(w_v.at[j], deg_sh.at[dst_v.at[j]], add=True)
        return 0
    lax.fori_loop(0, _CPT, _scatter, 0)
    plsc.subcore_barrier()

    pltpu.sync_copy(deg_sh.at[pl.ds(s * _RPT, _RPT)], buf_v)
    pltpu.sync_copy(buf_v, out_hbm.at[c, pl.ds(s * _RPT, _RPT)])


def _prescale_body(x_ref, w_ref, deg0_ref, deg1_ref, hs_ref, dinv_ref):
    h = jnp.dot(x_ref[...], w_ref[...], preferred_element_type=jnp.float32)
    deg = deg0_ref[0, 0, :] + deg1_ref[0, 0, :] + 1.0
    dinv = jnp.where(deg > 0.0, lax.rsqrt(deg), 0.0)
    hs_ref[...] = h * dinv[:, None]
    dinv_ref[...] = dinv[None, None, :]


_prescale = pl.pallas_call(
    _prescale_body,
    grid=(_NP // 128,),
    in_specs=[
        pl.BlockSpec((128, _D), lambda i: (i, 0)),
        pl.BlockSpec((_D, _D), lambda i: (0, 0)),
        pl.BlockSpec((1, 1, 128), lambda i: (i, 0, 0)),
        pl.BlockSpec((1, 1, 128), lambda i: (i, 0, 0)),
    ],
    out_specs=[
        pl.BlockSpec((128, _D), lambda i: (i, 0)),
        pl.BlockSpec((1, 1, 128), lambda i: (i, 0, 0)),
    ],
    out_shape=[
        jax.ShapeDtypeStruct((_NP, _D), jnp.float32),
        jax.ShapeDtypeStruct((_NP // 128, 1, 128), jnp.float32),
    ],
)


@functools.partial(
    pl.kernel,
    out_type=jax.ShapeDtypeStruct((2, _NP, _D), jnp.float32),
    mesh=_mesh,
    scratch_types=[
        pltpu.VMEM((_CPT, _B), jnp.int32),
        pltpu.VMEM((_CPT, _B), jnp.int32),
        pltpu.VMEM((_CPT, _B), jnp.float32),
        pltpu.VMEM((_B, _D), jnp.float32),
        pltpu.VMEM_SHARED((_NP, _D), jnp.float32),
        pltpu.SemaphoreType.DMA,
    ],
)
def _agg_kernel(src_hbm, dst_hbm, w_hbm, hs_hbm, out_hbm,
                src_v, dst_v, w_v, r0, agg_sh, g0):
    c = lax.axis_index("c")
    s = lax.axis_index("s")
    wid = c * 16 + s

    def _zrow(r, _):
        for k in range(_D // 16):
            r0[r, pl.ds(k * 16, 16)] = jnp.zeros((16,), jnp.float32)
        return 0
    lax.fori_loop(0, _B, _zrow, 0)
    for t in range(_RPT // _B):
        pltpu.sync_copy(r0, agg_sh.at[pl.ds(s * _RPT + t * _B, _B)])
    pltpu.sync_copy(agg_sh.at[pl.ds(s * _RPT, _B)], r0)
    plsc.subcore_barrier()

    pltpu.sync_copy(src_hbm.at[wid], src_v)
    pltpu.sync_copy(dst_hbm.at[wid], dst_v)
    pltpu.sync_copy(w_hbm.at[wid], w_v)

    def _edge_batch(j, _):
        return 0
    lax.fori_loop(0, _CPT, _edge_batch, 0)
    plsc.subcore_barrier()

    for t in range(_RPT // _B):
        pltpu.sync_copy(agg_sh.at[pl.ds(s * _RPT + t * _B, _B)], r0)
        pltpu.sync_copy(r0, out_hbm.at[c, pl.ds(s * _RPT + t * _B, _B)])


def _finish_body(aggp_ref, hs_ref, dinv_ref, b_ref, out_ref):
    a = aggp_ref[0] + aggp_ref[1] + hs_ref[...]
    y = a * dinv_ref[0, 0][:, None] + b_ref[...]
    out_ref[...] = 0.5 * y * (1.0 + lax.erf(y * 0.7071067811865476))


_finish = pl.pallas_call(
    _finish_body,
    grid=(_NP // 128,),
    in_specs=[
        pl.BlockSpec((2, 128, _D), lambda i: (0, i, 0)),
        pl.BlockSpec((128, _D), lambda i: (i, 0)),
        pl.BlockSpec((1, 1, 128), lambda i: (i, 0, 0)),
        pl.BlockSpec((1, _D), lambda i: (0, 0)),
    ],
    out_specs=pl.BlockSpec((128, _D), lambda i: (i, 0)),
    out_shape=jax.ShapeDtypeStruct((_NP, _D), jnp.float32),
)


def kernel(x, edge_index, edge_attr, W, b):
    src = edge_index[0]
    dst = edge_index[1]
    pad = _EP - _E
    srcp = jnp.concatenate([src, jnp.zeros((pad,), jnp.int32)]).reshape(
        _NW, _CPT, _B)
    dstp = jnp.concatenate([dst, jnp.zeros((pad,), jnp.int32)]).reshape(
        _NW, _CPT, _B)
    wp = jnp.concatenate([edge_attr, jnp.zeros((pad,), jnp.float32)]).reshape(
        _NW, _CPT, _B)
    xp = jnp.concatenate([x, jnp.zeros((_NP - _N, _D), jnp.float32)])

    degp = _deg_kernel(dstp, wp).reshape(2, _NP // 128, 1, 128)
    hs, dinv2d = _prescale(xp, W, degp[0], degp[1])
    aggp = _agg_kernel(srcp, dstp, wp, hs)
    out = _finish(aggp, hs, dinv2d, b.reshape(1, _D))
    return out[:_N]

# --- scband reference (transcript-rebuilt; emitter-appended) ---
"""Pipeline reference for scband-gcnconv-block-22454089024186 (READ-ONLY COPY).

The authoritative reference and input builder live on the scoring server;
editing this copy changes nothing except your own understanding.
"""

import jax, jax.numpy as jnp
import numpy as np

N = 10000
E = 320000
D_IN = 128
D_OUT = 128


def setup_inputs(seed: int = 0) -> dict:
    key = jax.random.key(seed)
    k1, k2, k3, k4 = jax.random.split(key, 4)
    x = jax.random.normal(k1, (N, D_IN), dtype=jnp.float32)
    edge_index = jax.random.randint(k2, (2, E), 0, N, dtype=jnp.int32)
    edge_attr = jax.random.uniform(k3, (E,), dtype=jnp.float32)
    # GCNConv learned parameters: Linear weight (glorot) and bias (zeros)
    W = jax.random.normal(k4, (D_IN, D_OUT), dtype=jnp.float32) * (1.0 / np.sqrt(D_IN))
    b = jnp.zeros((D_OUT,), dtype=jnp.float32)
    return {"x": x, "edge_index": edge_index, "edge_attr": edge_attr, "W": W, "b": b}


def reference(x, edge_index, edge_attr, W, b):
    # GCNConv with edge weights (edge_attr interpreted as scalar edge_weight),
    # add_self_loops=True, normalize=True, followed by GELU and eval-mode dropout (identity).
    src = edge_index[0]
    dst = edge_index[1]
    loop = jnp.arange(N, dtype=src.dtype)
    src_f = jnp.concatenate([src, loop])
    dst_f = jnp.concatenate([dst, loop])
    w_f = jnp.concatenate([edge_attr, jnp.ones((N,), dtype=edge_attr.dtype)])
    # symmetric normalization: deg computed at target nodes with edge weights
    deg = jax.ops.segment_sum(w_f, dst_f, num_segments=N)
    dinv = jnp.where(deg > 0, deg ** -0.5, 0.0)
    norm = dinv[src_f] * w_f * dinv[dst_f]
    # linear transform then propagate
    h = x @ W
    msg = h[src_f] * norm[:, None]
    agg = jax.ops.segment_sum(msg, dst_f, num_segments=N) + b
    out = jax.nn.gelu(agg, approximate=False)
    return out

if __name__ == "__main__":
    import jax
    _d = setup_inputs()
    print(jax.jit(kernel)(*tuple(_d.values())))

</pallas_src>

<mosaic_0001>
#map = affine_map<(d0, d1) -> (0, 0, 0)>
#map1 = affine_map<(d0, d1) -> (0, 0)>
module attributes {stable_mosaic.version = 14 : i64} {
  func.func @_deg_kernel(%arg0: i32, %arg1: i32, %arg2: memref<32x79x128xi32, #tpu.memory_space<hbm>>, %arg3: memref<32x79x128xf32, #tpu.memory_space<hbm>>, %arg4: memref<2x10240xf32, #tpu.memory_space<hbm>>, %arg5: memref<79x128xi32, #tpu.memory_space<vmem>>, %arg6: memref<79x128xf32, #tpu.memory_space<vmem>>, %arg7: memref<640xf32, #tpu.memory_space<vmem>>, %arg8: memref<10240xf32, #tpu.memory_space<vmem_shared>>) attributes {dimension_semantics = [#tpu.dimension_semantics<core_parallel>, #tpu.dimension_semantics<subcore_parallel>], iteration_bounds = array<i64: 2, 16>, scalar_prefetch = 0 : i64, scratch_operands = 4 : i64, tpu.core_type = #tpu.core_type<sc_vector_subcore>, window_params = [{transform_indices = #map}, {transform_indices = #map}, {transform_indices = #map1}]} {
    %mul3A = arith.constant 16 : i32
    %mul3A_0 = arith.muli %arg0, %mul3A : i32
    %add3A = arith.addi %mul3A_0, %arg1 : i32
    %scan3A = arith.constant 0 : i32
    %scan3A_1 = arith.constant 0 : i32
    %scan3A_2 = arith.constant 40 : i32
    %scan3A_3 = arith.addi %scan3A_1, %scan3A_2 : i32
    %scan3A_4 = arith.constant 1 : i32
    %scan3A_5 = scf.for %scan3A_23 = %scan3A_1 to %scan3A_3 step %scan3A_4 iter_args(%scan3A_24 = %scan3A) -> (i32)  : i32 {
      %broadcast_in_dim3A = arith.constant 0.000000e+00 : f32
      %broadcast_in_dim3A_25 = vector.broadcast %broadcast_in_dim3A : f32 to vector<16xf32>
      %mul3A_26 = arith.constant 16 : i32
      %mul3A_27 = arith.muli %scan3A_23, %mul3A_26 : i32
      %swap3A = arith.index_cast %mul3A_27 : i32 to index
      %swap3A_28 = tpu.vector_load %arg7[%swap3A] {strides = array<i32>} : memref<640xf32, #tpu.memory_space<vmem>>, vector<16xf32>,
      %swap3A_29 = vector.shape_cast %swap3A_28 : vector<16xf32> to vector<16xf32>
      %swap3A_30 = vector.shape_cast %broadcast_in_dim3A_25 : vector<16xf32> to vector<16xf32>
      tpu.vector_store %arg7[%swap3A], %swap3A_30 {strides = array<i32>} : memref<640xf32, #tpu.memory_space<vmem>>, vector<16xf32>,
      %scan3A_31 = arith.constant 0 : i32
      scf.yield %scan3A_31 : i32
    }
    %scan3A_6 = arith.constant 40 : i32
    %mul3A_7 = arith.constant 640 : i32
    %mul3A_8 = arith.muli %arg1, %mul3A_7 : i32
    "tpu.region"() ({
      %run_scoped3A = tpu.sem_alloc : memref<!tpu.dma_semaphore, #tpu.memory_space<semaphore_mem>>
      %dma_start3A = tpu.memref_slice %arg8[%mul3A_8] : memref<10240xf32, #tpu.memory_space<vmem_shared>> -> memref<640xf32, #tpu.memory_space<vmem_shared>>
      %dma_start3A_23 = tpu.memref_slice %arg8[%mul3A_8] : memref<10240xf32, #tpu.memory_space<vmem_shared>> -> memref<640xf32, #tpu.memory_space<vmem_shared>>
      tpu.enqueue_dma source(%arg7 : memref<640xf32, #tpu.memory_space<vmem>>) target(%dma_start3A_23 : memref<640xf32, #tpu.memory_space<vmem_shared>>) target_semaphore(%run_scoped3A : memref<!tpu.dma_semaphore, #tpu.memory_space<semaphore_mem>>)
      %dma_wait3A = tpu.memref_slice %arg8[%mul3A_8] : memref<10240xf32, #tpu.memory_space<vmem_shared>> -> memref<640xf32, #tpu.memory_space<vmem_shared>>
      %dma_wait3A_24 = tpu.memref_slice %arg8[%mul3A_8] : memref<10240xf32, #tpu.memory_space<vmem_shared>> -> memref<640xf32, #tpu.memory_space<vmem_shared>>
      tpu.wait_dma2 semaphore(%run_scoped3A : memref<!tpu.dma_semaphore, #tpu.memory_space<semaphore_mem>>) src(%arg7 : memref<640xf32, #tpu.memory_space<vmem>>) dst(%dma_wait3A_24 : memref<640xf32, #tpu.memory_space<vmem_shared>>)
      tpu.yield
    }) : () -> ()
    %mul3A_9 = arith.constant 640 : i32
    %mul3A_10 = arith.muli %arg1, %mul3A_9 : i32
    "tpu.region"() ({
      %run_scoped3A = tpu.sem_alloc : memref<!tpu.dma_semaphore, #tpu.memory_space<semaphore_mem>>
      %dma_start3A = tpu.memref_slice %arg8[%mul3A_10] : memref<10240xf32, #tpu.memory_space<vmem_shared>> -> memref<640xf32, #tpu.memory_space<vmem_shared>>
      %dma_start3A_23 = tpu.memref_slice %arg8[%mul3A_10] : memref<10240xf32, #tpu.memory_space<vmem_shared>> -> memref<640xf32, #tpu.memory_space<vmem_shared>>
      tpu.enqueue_dma source(%dma_start3A_23 : memref<640xf32, #tpu.memory_space<vmem_shared>>) target(%arg7 : memref<640xf32, #tpu.memory_space<vmem>>) target_semaphore(%run_scoped3A : memref<!tpu.dma_semaphore, #tpu.memory_space<semaphore_mem>>)
      %dma_wait3A = tpu.memref_slice %arg8[%mul3A_10] : memref<10240xf32, #tpu.memory_space<vmem_shared>> -> memref<640xf32, #tpu.memory_space<vmem_shared>>
      %dma_wait3A_24 = tpu.memref_slice %arg8[%mul3A_10] : memref<10240xf32, #tpu.memory_space<vmem_shared>> -> memref<640xf32, #tpu.memory_space<vmem_shared>>
      tpu.wait_dma2 semaphore(%run_scoped3A : memref<!tpu.dma_semaphore, #tpu.memory_space<semaphore_mem>>) src(%dma_wait3A_24 : memref<640xf32, #tpu.memory_space<vmem_shared>>) dst(%arg7 : memref<640xf32, #tpu.memory_space<vmem>>)
      tpu.yield
    }) : () -> ()
    %barrier3A = arith.constant 0 : index
    tpu.barrier barrier_id(%barrier3A)
    "tpu.region"() ({
      %run_scoped3A = tpu.sem_alloc : memref<!tpu.dma_semaphore, #tpu.memory_space<semaphore_mem>>
      %dma_start3A = arith.constant 0 : i32
      %dma_start3A_23 = arith.constant 0 : i32
      %dma_start3A_24 = tpu.memref_slice %arg2[%add3A, %dma_start3A, %dma_start3A_23] : memref<32x79x128xi32, #tpu.memory_space<hbm>> -> memref<1x79x128xi32, #tpu.memory_space<hbm>>
      %dma_start3A_25 = tpu.memref_squeeze %dma_start3A_24 : memref<1x79x128xi32, #tpu.memory_space<hbm>> -> memref<79x128xi32, #tpu.memory_space<hbm>>
      %dma_start3A_26 = arith.constant 0 : i32
      %dma_start3A_27 = arith.constant 0 : i32
      %dma_start3A_28 = tpu.memref_slice %arg2[%add3A, %dma_start3A_26, %dma_start3A_27] : memref<32x79x128xi32, #tpu.memory_space<hbm>> -> memref<1x79x128xi32, #tpu.memory_space<hbm>>
      %dma_start3A_29 = tpu.memref_squeeze %dma_start3A_28 : memref<1x79x128xi32, #tpu.memory_space<hbm>> -> memref<79x128xi32, #tpu.memory_space<hbm>>
      tpu.enqueue_dma source(%dma_start3A_29 : memref<79x128xi32, #tpu.memory_space<hbm>>) target(%arg5 : memref<79x128xi32, #tpu.memory_space<vmem>>) target_semaphore(%run_scoped3A : memref<!tpu.dma_semaphore, #tpu.memory_space<semaphore_mem>>)
      %dma_wait3A = arith.constant 0 : i32
      %dma_wait3A_30 = arith.constant 0 : i32
      %dma_wait3A_31 = tpu.memref_slice %arg2[%add3A, %dma_wait3A, %dma_wait3A_30] : memref<32x79x128xi32, #tpu.memory_space<hbm>> -> memref<1x79x128xi32, #tpu.memory_space<hbm>>
      %dma_wait3A_32 = tpu.memref_squeeze %dma_wait3A_31 : memref<1x79x128xi32, #tpu.memory_space<hbm>> -> memref<79x128xi32, #tpu.memory_space<hbm>>
      %dma_wait3A_33 = arith.constant 0 : i32
      %dma_wait3A_34 = arith.constant 0 : i32
      %dma_wait3A_35 = tpu.memref_slice %arg2[%add3A, %dma_wait3A_33, %dma_wait3A_34] : memref<32x79x128xi32, #tpu.memory_space<hbm>> -> memref<1x79x128xi32, #tpu.memory_space<hbm>>
      %dma_wait3A_36 = tpu.memref_squeeze %dma_wait3A_35 : memref<1x79x128xi32, #tpu.memory_space<hbm>> -> memref<79x128xi32, #tpu.memory_space<hbm>>
      tpu.wait_dma2 semaphore(%run_scoped3A : memref<!tpu.dma_semaphore, #tpu.memory_space<semaphore_mem>>) src(%dma_wait3A_36 : memref<79x128xi32, #tpu.memory_space<hbm>>) dst(%arg5 : memref<79x128xi32, #tpu.memory_space<vmem>>)
      tpu.yield
    }) : () -> ()
    "tpu.region"() ({
      %run_scoped3A = tpu.sem_alloc : memref<!tpu.dma_semaphore, #tpu.memory_space<semaphore_mem>>
      %dma_start3A = arith.constant 0 : i32
      %dma_start3A_23 = arith.constant 0 : i32
      %dma_start3A_24 = tpu.memref_slice %arg3[%add3A, %dma_start3A, %dma_start3A_23] : memref<32x79x128xf32, #tpu.memory_space<hbm>> -> memref<1x79x128xf32, #tpu.memory_space<hbm>>
      %dma_start3A_25 = tpu.memref_squeeze %dma_start3A_24 : memref<1x79x128xf32, #tpu.memory_space<hbm>> -> memref<79x128xf32, #tpu.memory_space<hbm>>
      %dma_start3A_26 = arith.constant 0 : i32
      %dma_start3A_27 = arith.constant 0 : i32
      %dma_start3A_28 = tpu.memref_slice %arg3[%add3A, %dma_start3A_26, %dma_start3A_27] : memref<32x79x128xf32, #tpu.memory_space<hbm>> -> memref<1x79x128xf32, #tpu.memory_space<hbm>>
      %dma_start3A_29 = tpu.memref_squeeze %dma_start3A_28 : memref<1x79x128xf32, #tpu.memory_space<hbm>> -> memref<79x128xf32, #tpu.memory_space<hbm>>
      tpu.enqueue_dma source(%dma_start3A_29 : memref<79x128xf32, #tpu.memory_space<hbm>>) target(%arg6 : memref<79x128xf32, #tpu.memory_space<vmem>>) target_semaphore(%run_scoped3A : memref<!tpu.dma_semaphore, #tpu.memory_space<semaphore_mem>>)
      %dma_wait3A = arith.constant 0 : i32
      %dma_wait3A_30 = arith.constant 0 : i32
      %dma_wait3A_31 = tpu.memref_slice %arg3[%add3A, %dma_wait3A, %dma_wait3A_30] : memref<32x79x128xf32, #tpu.memory_space<hbm>> -> memref<1x79x128xf32, #tpu.memory_space<hbm>>
      %dma_wait3A_32 = tpu.memref_squeeze %dma_wait3A_31 : memref<1x79x128xf32, #tpu.memory_space<hbm>> -> memref<79x128xf32, #tpu.memory_space<hbm>>
      %dma_wait3A_33 = arith.constant 0 : i32
      %dma_wait3A_34 = arith.constant 0 : i32
      %dma_wait3A_35 = tpu.memref_slice %arg3[%add3A, %dma_wait3A_33, %dma_wait3A_34] : memref<32x79x128xf32, #tpu.memory_space<hbm>> -> memref<1x79x128xf32, #tpu.memory_space<hbm>>
      %dma_wait3A_36 = tpu.memref_squeeze %dma_wait3A_35 : memref<1x79x128xf32, #tpu.memory_space<hbm>> -> memref<79x128xf32, #tpu.memory_space<hbm>>
      tpu.wait_dma2 semaphore(%run_scoped3A : memref<!tpu.dma_semaphore, #tpu.memory_space<semaphore_mem>>) src(%dma_wait3A_36 : memref<79x128xf32, #tpu.memory_space<hbm>>) dst(%arg6 : memref<79x128xf32, #tpu.memory_space<vmem>>)
      tpu.yield
    }) : () -> ()
    %scan3A_11 = arith.constant 0 : i32
    %scan3A_12 = arith.constant 0 : i32
    %scan3A_13 = arith.constant 79 : i32
    %scan3A_14 = arith.addi %scan3A_12, %scan3A_13 : i32
    %scan3A_15 = arith.constant 1 : i32
    %scan3A_16 = scf.for %scan3A_23 = %scan3A_12 to %scan3A_14 step %scan3A_15 iter_args(%scan3A_24 = %scan3A_11) -> (i32)  : i32 {
      "tpu.region"() ({
        %run_scoped3A = tpu.sem_alloc : memref<!tpu.dma_semaphore, #tpu.memory_space<semaphore_mem>>
        %dma_start3A = arith.constant 0 : i32
        %dma_start3A_26 = tpu.memref_slice %arg6[%scan3A_23, %dma_start3A] : memref<79x128xf32, #tpu.memory_space<vmem>> -> memref<1x128xf32, #tpu.memory_space<vmem>>
        %dma_start3A_27 = tpu.memref_squeeze %dma_start3A_26 : memref<1x128xf32, #tpu.memory_space<vmem>> -> memref<128xf32, #tpu.memory_space<vmem>>
        %dma_start3A_28 = arith.constant 0 : i32
        %dma_start3A_29 = tpu.memref_slice %arg5[%scan3A_23, %dma_start3A_28] : memref<79x128xi32, #tpu.memory_space<vmem>> -> memref<1x128xi32, #tpu.memory_space<vmem>>
        %dma_start3A_30 = tpu.memref_squeeze %dma_start3A_29 : memref<1x128xi32, #tpu.memory_space<vmem>> -> memref<128xi32, #tpu.memory_space<vmem>>
        %dma_start3A_31 = arith.constant 0 : i32
        %dma_start3A_32 = tpu.memref_slice %arg8[%dma_start3A_31] : memref<10240xf32, #tpu.memory_space<vmem_shared>> -> memref<10240xf32, #tpu.memory_space<vmem_shared>>
        tpu.enqueue_indirect_dma source(%dma_start3A_27 : memref<128xf32, #tpu.memory_space<vmem>>) target(%dma_start3A_32 : memref<10240xf32, #tpu.memory_space<vmem_shared>>) offsets(%dma_start3A_30 : memref<128xi32, #tpu.memory_space<vmem>>) semaphore(%run_scoped3A : memref<!tpu.dma_semaphore, #tpu.memory_space<semaphore_mem>>) {add = true}
        %dma_wait3A = arith.constant 0 : i32
        %dma_wait3A_33 = tpu.memref_slice %arg6[%scan3A_23, %dma_wait3A] : memref<79x128xf32, #tpu.memory_space<vmem>> -> memref<1x128xf32, #tpu.memory_space<vmem>>
        %dma_wait3A_34 = tpu.memref_squeeze %dma_wait3A_33 : memref<1x128xf32, #tpu.memory_space<vmem>> -> memref<128xf32, #tpu.memory_space<vmem>>
        %dma_wait3A_35 = arith.constant 0 : i32
        %dma_wait3A_36 = tpu.memref_slice %arg5[%scan3A_23, %dma_wait3A_35] : memref<79x128xi32, #tpu.memory_space<vmem>> -> memref<1x128xi32, #tpu.memory_space<vmem>>
        %dma_wait3A_37 = tpu.memref_squeeze %dma_wait3A_36 : memref<1x128xi32, #tpu.memory_space<vmem>> -> memref<128xi32, #tpu.memory_space<vmem>>
        %dma_wait3A_38 = arith.constant 0 : i32
        %dma_wait3A_39 = tpu.memref_slice %arg8[%dma_wait3A_38] : memref<10240xf32, #tpu.memory_space<vmem_shared>> -> memref<10240xf32, #tpu.memory_space<vmem_shared>>
        tpu.wait_indirect_dma semaphore(%run_scoped3A : memref<!tpu.dma_semaphore, #tpu.memory_space<semaphore_mem>>) src(%dma_wait3A_34 : memref<128xf32, #tpu.memory_space<vmem>>) dst(%dma_wait3A_39 : memref<10240xf32, #tpu.memory_space<vmem_shared>>)
        tpu.yield
      }) : () -> ()
      %scan3A_25 = arith.constant 0 : i32
      scf.yield %scan3A_25 : i32
    }
    %scan3A_17 = arith.constant 79 : i32
    %barrier3A_18 = arith.constant 0 : index
    tpu.barrier barrier_id(%barrier3A_18)
    %mul3A_19 = arith.constant 640 : i32
    %mul3A_20 = arith.muli %arg1, %mul3A_19 : i32
    "tpu.region"() ({
      %run_scoped3A = tpu.sem_alloc : memref<!tpu.dma_semaphore, #tpu.memory_space<semaphore_mem>>
      %dma_start3A = tpu.memref_slice %arg8[%mul3A_20] : memref<10240xf32, #tpu.memory_space<vmem_shared>> -> memref<640xf32, #tpu.memory_space<vmem_shared>>
      %dma_start3A_23 = tpu.memref_slice %arg8[%mul3A_20] : memref<10240xf32, #tpu.memory_space<vmem_shared>> -> memref<640xf32, #tpu.memory_space<vmem_shared>>
      tpu.enqueue_dma source(%dma_start3A_23 : memref<640xf32, #tpu.memory_space<vmem_shared>>) target(%arg7 : memref<640xf32, #tpu.memory_space<vmem>>) target_semaphore(%run_scoped3A : memref<!tpu.dma_semaphore, #tpu.memory_space<semaphore_mem>>)
      %dma_wait3A = tpu.memref_slice %arg8[%mul3A_20] : memref<10240xf32, #tpu.memory_space<vmem_shared>> -> memref<640xf32, #tpu.memory_space<vmem_shared>>
      %dma_wait3A_24 = tpu.memref_slice %arg8[%mul3A_20] : memref<10240xf32, #tpu.memory_space<vmem_shared>> -> memref<640xf32, #tpu.memory_space<vmem_shared>>
      tpu.wait_dma2 semaphore(%run_scoped3A : memref<!tpu.dma_semaphore, #tpu.memory_space<semaphore_mem>>) src(%dma_wait3A_24 : memref<640xf32, #tpu.memory_space<vmem_shared>>) dst(%arg7 : memref<640xf32, #tpu.memory_space<vmem>>)
      tpu.yield
    }) : () -> ()
    %mul3A_21 = arith.constant 640 : i32
    %mul3A_22 = arith.muli %arg1, %mul3A_21 : i32
    "tpu.region"() ({
      %run_scoped3A = tpu.sem_alloc : memref<!tpu.dma_semaphore, #tpu.memory_space<semaphore_mem>>
      %dma_start3A = tpu.memref_slice %arg4[%arg0, %mul3A_22] : memref<2x10240xf32, #tpu.memory_space<hbm>> -> memref<1x640xf32, #tpu.memory_space<hbm>>
      %dma_start3A_23 = tpu.memref_squeeze %dma_start3A : memref<1x640xf32, #tpu.memory_space<hbm>> -> memref<640xf32, #tpu.memory_space<hbm>>
      %dma_start3A_24 = tpu.memref_slice %arg4[%arg0, %mul3A_22] : memref<2x10240xf32, #tpu.memory_space<hbm>> -> memref<1x640xf32, #tpu.memory_space<hbm>>
      %dma_start3A_25 = tpu.memref_squeeze %dma_start3A_24 : memref<1x640xf32, #tpu.memory_space<hbm>> -> memref<640xf32, #tpu.memory_space<hbm>>
      tpu.enqueue_dma source(%arg7 : memref<640xf32, #tpu.memory_space<vmem>>) target(%dma_start3A_25 : memref<640xf32, #tpu.memory_space<hbm>>) target_semaphore(%run_scoped3A : memref<!tpu.dma_semaphore, #tpu.memory_space<semaphore_mem>>)
      %dma_wait3A = tpu.memref_slice %arg4[%arg0, %mul3A_22] : memref<2x10240xf32, #tpu.memory_space<hbm>> -> memref<1x640xf32, #tpu.memory_space<hbm>>
      %dma_wait3A_26 = tpu.memref_squeeze %dma_wait3A : memref<1x640xf32, #tpu.memory_space<hbm>> -> memref<640xf32, #tpu.memory_space<hbm>>
      %dma_wait3A_27 = tpu.memref_slice %arg4[%arg0, %mul3A_22] : memref<2x10240xf32, #tpu.memory_space<hbm>> -> memref<1x640xf32, #tpu.memory_space<hbm>>
      %dma_wait3A_28 = tpu.memref_squeeze %dma_wait3A_27 : memref<1x640xf32, #tpu.memory_space<hbm>> -> memref<640xf32, #tpu.memory_space<hbm>>
      tpu.wait_dma2 semaphore(%run_scoped3A : memref<!tpu.dma_semaphore, #tpu.memory_space<semaphore_mem>>) src(%arg7 : memref<640xf32, #tpu.memory_space<vmem>>) dst(%dma_wait3A_28 : memref<640xf32, #tpu.memory_space<hbm>>)
      tpu.yield
    }) : () -> ()
    return
  }
}

#map = affine_map<(d0, d1) -> (0, 0, 0)>
#map1 = affine_map<(d0, d1) -> (0, 0)>
module attributes {stable_mosaic.version = 14 : i64} {
  func.func @_agg_kernel(%arg0: i32, %arg1: i32, %arg2: memref<32x79x128xi32, #tpu.memory_space<hbm>>, %arg3: memref<32x79x128xi32, #tpu.memory_space<hbm>>, %arg4: memref<32x79x128xf32, #tpu.memory_space<hbm>>, %arg5: memref<10240x128xf32, #tpu.memory_space<hbm>>, %arg6: memref<2x10240x128xf32, #tpu.memory_space<hbm>>, %arg7: memref<79x128xi32, #tpu.memory_space<vmem>>, %arg8: memref<79x128xi32, #tpu.memory_space<vmem>>, %arg9: memref<79x128xf32, #tpu.memory_space<vmem>>, %arg10: memref<128x128xf32, #tpu.memory_space<vmem>>, %arg11: memref<10240x128xf32, #tpu.memory_space<vmem_shared>>, %arg12: memref<!tpu.dma_semaphore, #tpu.memory_space<semaphore_mem>>) attributes {dimension_semantics = [#tpu.dimension_semantics<core_parallel>, #tpu.dimension_semantics<subcore_parallel>], iteration_bounds = array<i64: 2, 16>, scalar_prefetch = 0 : i64, scratch_operands = 6 : i64, tpu.core_type = #tpu.core_type<sc_vector_subcore>, window_params = [{transform_indices = #map}, {transform_indices = #map}, {transform_indices = #map}, {transform_indices = #map1}, {transform_indices = #map}]} {
    %mul3A = arith.constant 16 : i32
    %mul3A_0 = arith.muli %arg0, %mul3A : i32
    %add3A = arith.addi %mul3A_0, %arg1 : i32
    %scan3A = arith.constant 0 : i32
    %scan3A_1 = arith.constant 0 : i32
    %scan3A_2 = arith.constant 128 : i32
    %scan3A_3 = arith.addi %scan3A_1, %scan3A_2 : i32
    %scan3A_4 = arith.constant 1 : i32
    %scan3A_5 = scf.for %scan3A_77 = %scan3A_1 to %scan3A_3 step %scan3A_4 iter_args(%scan3A_78 = %scan3A) -> (i32)  : i32 {
      %broadcast_in_dim3A = arith.constant 0.000000e+00 : f32
      %broadcast_in_dim3A_79 = vector.broadcast %broadcast_in_dim3A : f32 to vector<16xf32>
      %swap3A = arith.index_cast %scan3A_77 : i32 to index
      %swap3A_80 = arith.constant 0 : index
      %swap3A_81 = tpu.vector_load %arg10[%swap3A, %swap3A_80] {strides = array<i32>} : memref<128x128xf32, #tpu.memory_space<vmem>>, vector<1x16xf32>,
      %swap3A_82 = vector.shape_cast %swap3A_81 : vector<1x16xf32> to vector<16xf32>
      %swap3A_83 = vector.shape_cast %broadcast_in_dim3A_79 : vector<16xf32> to vector<1x16xf32>
      tpu.vector_store %arg10[%swap3A, %swap3A_80], %swap3A_83 {strides = array<i32>} : memref<128x128xf32, #tpu.memory_space<vmem>>, vector<1x16xf32>,
      %broadcast_in_dim3A_84 = arith.constant 0.000000e+00 : f32
      %broadcast_in_dim3A_85 = vector.broadcast %broadcast_in_dim3A_84 : f32 to vector<16xf32>
      %swap3A_86 = arith.index_cast %scan3A_77 : i32 to index
      %swap3A_87 = arith.constant 16 : index
      %swap3A_88 = tpu.vector_load %arg10[%swap3A_86, %swap3A_87] {strides = array<i32>} : memref<128x128xf32, #tpu.memory_space<vmem>>, vector<1x16xf32>,
      %swap3A_89 = vector.shape_cast %swap3A_88 : vector<1x16xf32> to vector<16xf32>
      %swap3A_90 = vector.shape_cast %broadcast_in_dim3A_85 : vector<16xf32> to vector<1x16xf32>
      tpu.vector_store %arg10[%swap3A_86, %swap3A_87], %swap3A_90 {strides = array<i32>} : memref<128x128xf32, #tpu.memory_space<vmem>>, vector<1x16xf32>,
      %broadcast_in_dim3A_91 = arith.constant 0.000000e+00 : f32
      %broadcast_in_dim3A_92 = vector.broadcast %broadcast_in_dim3A_91 : f32 to vector<16xf32>
      %swap3A_93 = arith.index_cast %scan3A_77 : i32 to index
      %swap3A_94 = arith.constant 32 : index
      %swap3A_95 = tpu.vector_load %arg10[%swap3A_93, %swap3A_94] {strides = array<i32>} : memref<128x128xf32, #tpu.memory_space<vmem>>, vector<1x16xf32>,
      %swap3A_96 = vector.shape_cast %swap3A_95 : vector<1x16xf32> to vector<16xf32>
      %swap3A_97 = vector.shape_cast %broadcast_in_dim3A_92 : vector<16xf32> to vector<1x16xf32>
      tpu.vector_store %arg10[%swap3A_93, %swap3A_94], %swap3A_97 {strides = array<i32>} : memref<128x128xf32, #tpu.memory_space<vmem>>, vector<1x16xf32>,
      %broadcast_in_dim3A_98 = arith.constant 0.000000e+00 : f32
      %broadcast_in_dim3A_99 = vector.broadcast %broadcast_in_dim3A_98 : f32 to vector<16xf32>
      %swap3A_100 = arith.index_cast %scan3A_77 : i32 to index
      %swap3A_101 = arith.constant 48 : index
      %swap3A_102 = tpu.vector_load %arg10[%swap3A_100, %swap3A_101] {strides = array<i32>} : memref<128x128xf32, #tpu.memory_space<vmem>>, vector<1x16xf32>,
      %swap3A_103 = vector.shape_cast %swap3A_102 : vector<1x16xf32> to vector<16xf32>
      %swap3A_104 = vector.shape_cast %broadcast_in_dim3A_99 : vector<16xf32> to vector<1x16xf32>
      tpu.vector_store %arg10[%swap3A_100, %swap3A_101], %swap3A_104 {strides = array<i32>} : memref<128x128xf32, #tpu.memory_space<vmem>>, vector<1x16xf32>,
      %broadcast_in_dim3A_105 = arith.constant 0.000000e+00 : f32
      %broadcast_in_dim3A_106 = vector.broadcast %broadcast_in_dim3A_105 : f32 to vector<16xf32>
      %swap3A_107 = arith.index_cast %scan3A_77 : i32 to index
      %swap3A_108 = arith.constant 64 : index
      %swap3A_109 = tpu.vector_load %arg10[%swap3A_107, %swap3A_108] {strides = array<i32>} : memref<128x128xf32, #tpu.memory_space<vmem>>, vector<1x16xf32>,
      %swap3A_110 = vector.shape_cast %swap3A_109 : vector<1x16xf32> to vector<16xf32>
      %swap3A_111 = vector.shape_cast %broadcast_in_dim3A_106 : vector<16xf32> to vector<1x16xf32>
      tpu.vector_store %arg10[%swap3A_107, %swap3A_108], %swap3A_111 {strides = array<i32>} : memref<128x128xf32, #tpu.memory_space<vmem>>, vector<1x16xf32>,
      %broadcast_in_dim3A_112 = arith.constant 0.000000e+00 : f32
      %broadcast_in_dim3A_113 = vector.broadcast %broadcast_in_dim3A_112 : f32 to vector<16xf32>
      %swap3A_114 = arith.index_cast %scan3A_77 : i32 to index
      %swap3A_115 = arith.constant 80 : index
      %swap3A_116 = tpu.vector_load %arg10[%swap3A_114, %swap3A_115] {strides = array<i32>} : memref<128x128xf32, #tpu.memory_space<vmem>>, vector<1x16xf32>,
      %swap3A_117 = vector.shape_cast %swap3A_116 : vector<1x16xf32> to vector<16xf32>
      %swap3A_118 = vector.shape_cast %broadcast_in_dim3A_113 : vector<16xf32> to vector<1x16xf32>
      tpu.vector_store %arg10[%swap3A_114, %swap3A_115], %swap3A_118 {strides = array<i32>} : memref<128x128xf32, #tpu.memory_space<vmem>>, vector<1x16xf32>,
      %broadcast_in_dim3A_119 = arith.constant 0.000000e+00 : f32
      %broadcast_in_dim3A_120 = vector.broadcast %broadcast_in_dim3A_119 : f32 to vector<16xf32>
      %swap3A_121 = arith.index_cast %scan3A_77 : i32 to index
      %swap3A_122 = arith.constant 96 : index
      %swap3A_123 = tpu.vector_load %arg10[%swap3A_121, %swap3A_122] {strides = array<i32>} : memref<128x128xf32, #tpu.memory_space<vmem>>, vector<1x16xf32>,
      %swap3A_124 = vector.shape_cast %swap3A_123 : vector<1x16xf32> to vector<16xf32>
      %swap3A_125 = vector.shape_cast %broadcast_in_dim3A_120 : vector<16xf32> to vector<1x16xf32>
      tpu.vector_store %arg10[%swap3A_121, %swap3A_122], %swap3A_125 {strides = array<i32>} : memref<128x128xf32, #tpu.memory_space<vmem>>, vector<1x16xf32>,
      %broadcast_in_dim3A_126 = arith.constant 0.000000e+00 : f32
      %broadcast_in_dim3A_127 = vector.broadcast %broadcast_in_dim3A_126 : f32 to vector<16xf32>
      %swap3A_128 = arith.index_cast %scan3A_77 : i32 to index
      %swap3A_129 = arith.constant 112 : index
      %swap3A_130 = tpu.vector_load %arg10[%swap3A_128, %swap3A_129] {strides = array<i32>} : memref<128x128xf32, #tpu.memory_space<vmem>>, vector<1x16xf32>,
      %swap3A_131 = vector.shape_cast %swap3A_130 : vector<1x16xf32> to vector<16xf32>
      %swap3A_132 = vector.shape_cast %broadcast_in_dim3A_127 : vector<16xf32> to vector<1x16xf32>
      tpu.vector_store %arg10[%swap3A_128, %swap3A_129], %swap3A_132 {strides = array<i32>} : memref<128x128xf32, #tpu.memory_space<vmem>>, vector<1x16xf32>,
      %scan3A_133 = arith.constant 0 : i32
      scf.yield %scan3A_133 : i32
    }
    %scan3A_6 = arith.constant 128 : i32
    %mul3A_7 = arith.constant 640 : i32
    %mul3A_8 = arith.muli %arg1, %mul3A_7 : i32
    %add3A_9 = arith.constant 0 : i32
    %add3A_10 = arith.addi %mul3A_8, %add3A_9 : i32
    "tpu.region"() ({
      %run_scoped3A = tpu.sem_alloc : memref<!tpu.dma_semaphore, #tpu.memory_space<semaphore_mem>>
      %dma_start3A = arith.constant 0 : i32
      %dma_start3A_77 = tpu.memref_slice %arg11[%add3A_10, %dma_start3A] : memref<10240x128xf32, #tpu.memory_space<vmem_shared>> -> memref<128x128xf32, #tpu.memory_space<vmem_shared>>
      %dma_start3A_78 = arith.constant 0 : i32
      %dma_start3A_79 = tpu.memref_slice %arg11[%add3A_10, %dma_start3A_78] : memref<10240x128xf32, #tpu.memory_space<vmem_shared>> -> memref<128x128xf32, #tpu.memory_space<vmem_shared>>
      tpu.enqueue_dma source(%arg10 : memref<128x128xf32, #tpu.memory_space<vmem>>) target(%dma_start3A_79 : memref<128x128xf32, #tpu.memory_space<vmem_shared>>) target_semaphore(%run_scoped3A : memref<!tpu.dma_semaphore, #tpu.memory_space<semaphore_mem>>)
      %dma_wait3A = arith.constant 0 : i32
      %dma_wait3A_80 = tpu.memref_slice %arg11[%add3A_10, %dma_wait3A] : memref<10240x128xf32, #tpu.memory_space<vmem_shared>> -> memref<128x128xf32, #tpu.memory_space<vmem_shared>>
      %dma_wait3A_81 = arith.constant 0 : i32
      %dma_wait3A_82 = tpu.memref_slice %arg11[%add3A_10, %dma_wait3A_81] : memref<10240x128xf32, #tpu.memory_space<vmem_shared>> -> memref<128x128xf32, #tpu.memory_space<vmem_shared>>
      tpu.wait_dma2 semaphore(%run_scoped3A : memref<!tpu.dma_semaphore, #tpu.memory_space<semaphore_mem>>) src(%arg10 : memref<128x128xf32, #tpu.memory_space<vmem>>) dst(%dma_wait3A_82 : memref<128x128xf32, #tpu.memory_space<vmem_shared>>)
      tpu.yield
    }) : () -> ()
    %mul3A_11 = arith.constant 640 : i32
    %mul3A_12 = arith.muli %arg1, %mul3A_11 : i32
    %add3A_13 = arith.constant 128 : i32
    %add3A_14 = arith.addi %mul3A_12, %add3A_13 : i32
    "tpu.region"() ({
      %run_scoped3A = tpu.sem_alloc : memref<!tpu.dma_semaphore, #tpu.memory_space<semaphore_mem>>
      %dma_start3A = arith.constant 0 : i32
      %dma_start3A_77 = tpu.memref_slice %arg11[%add3A_14, %dma_start3A] : memref<10240x128xf32, #tpu.memory_space<vmem_shared>> -> memref<128x128xf32, #tpu.memory_space<vmem_shared>>
      %dma_start3A_78 = arith.constant 0 : i32
      %dma_start3A_79 = tpu.memref_slice %arg11[%add3A_14, %dma_start3A_78] : memref<10240x128xf32, #tpu.memory_space<vmem_shared>> -> memref<128x128xf32, #tpu.memory_space<vmem_shared>>
      tpu.enqueue_dma source(%arg10 : memref<128x128xf32, #tpu.memory_space<vmem>>) target(%dma_start3A_79 : memref<128x128xf32, #tpu.memory_space<vmem_shared>>) target_semaphore(%run_scoped3A : memref<!tpu.dma_semaphore, #tpu.memory_space<semaphore_mem>>)
      %dma_wait3A = arith.constant 0 : i32
      %dma_wait3A_80 = tpu.memref_slice %arg11[%add3A_14, %dma_wait3A] : memref<10240x128xf32, #tpu.memory_space<vmem_shared>> -> memref<128x128xf32, #tpu.memory_space<vmem_shared>>
      %dma_wait3A_81 = arith.constant 0 : i32
      %dma_wait3A_82 = tpu.memref_slice %arg11[%add3A_14, %dma_wait3A_81] : memref<10240x128xf32, #tpu.memory_space<vmem_shared>> -> memref<128x128xf32, #tpu.memory_space<vmem_shared>>
      tpu.wait_dma2 semaphore(%run_scoped3A : memref<!tpu.dma_semaphore, #tpu.memory_space<semaphore_mem>>) src(%arg10 : memref<128x128xf32, #tpu.memory_space<vmem>>) dst(%dma_wait3A_82 : memref<128x128xf32, #tpu.memory_space<vmem_shared>>)
      tpu.yield
    }) : () -> ()
    %mul3A_15 = arith.constant 640 : i32
    %mul3A_16 = arith.muli %arg1, %mul3A_15 : i32
    %add3A_17 = arith.constant 256 : i32
    %add3A_18 = arith.addi %mul3A_16, %add3A_17 : i32
    "tpu.region"() ({
      %run_scoped3A = tpu.sem_alloc : memref<!tpu.dma_semaphore, #tpu.memory_space<semaphore_mem>>
      %dma_start3A = arith.constant 0 : i32
      %dma_start3A_77 = tpu.memref_slice %arg11[%add3A_18, %dma_start3A] : memref<10240x128xf32, #tpu.memory_space<vmem_shared>> -> memref<128x128xf32, #tpu.memory_space<vmem_shared>>
      %dma_start3A_78 = arith.constant 0 : i32
      %dma_start3A_79 = tpu.memref_slice %arg11[%add3A_18, %dma_start3A_78] : memref<10240x128xf32, #tpu.memory_space<vmem_shared>> -> memref<128x128xf32, #tpu.memory_space<vmem_shared>>
      tpu.enqueue_dma source(%arg10 : memref<128x128xf32, #tpu.memory_space<vmem>>) target(%dma_start3A_79 : memref<128x128xf32, #tpu.memory_space<vmem_shared>>) target_semaphore(%run_scoped3A : memref<!tpu.dma_semaphore, #tpu.memory_space<semaphore_mem>>)
      %dma_wait3A = arith.constant 0 : i32
      %dma_wait3A_80 = tpu.memref_slice %arg11[%add3A_18, %dma_wait3A] : memref<10240x128xf32, #tpu.memory_space<vmem_shared>> -> memref<128x128xf32, #tpu.memory_space<vmem_shared>>
      %dma_wait3A_81 = arith.constant 0 : i32
      %dma_wait3A_82 = tpu.memref_slice %arg11[%add3A_18, %dma_wait3A_81] : memref<10240x128xf32, #tpu.memory_space<vmem_shared>> -> memref<128x128xf32, #tpu.memory_space<vmem_shared>>
      tpu.wait_dma2 semaphore(%run_scoped3A : memref<!tpu.dma_semaphore, #tpu.memory_space<semaphore_mem>>) src(%arg10 : memref<128x128xf32, #tpu.memory_space<vmem>>) dst(%dma_wait3A_82 : memref<128x128xf32, #tpu.memory_space<vmem_shared>>)
      tpu.yield
    }) : () -> ()
    %mul3A_19 = arith.constant 640 : i32
    %mul3A_20 = arith.muli %arg1, %mul3A_19 : i32
    %add3A_21 = arith.constant 384 : i32
    %add3A_22 = arith.addi %mul3A_20, %add3A_21 : i32
    "tpu.region"() ({
      %run_scoped3A = tpu.sem_alloc : memref<!tpu.dma_semaphore, #tpu.memory_space<semaphore_mem>>
      %dma_start3A = arith.constant 0 : i32
      %dma_start3A_77 = tpu.memref_slice %arg11[%add3A_22, %dma_start3A] : memref<10240x128xf32, #tpu.memory_space<vmem_shared>> -> memref<128x128xf32, #tpu.memory_space<vmem_shared>>
      %dma_start3A_78 = arith.constant 0 : i32
      %dma_start3A_79 = tpu.memref_slice %arg11[%add3A_22, %dma_start3A_78] : memref<10240x128xf32, #tpu.memory_space<vmem_shared>> -> memref<128x128xf32, #tpu.memory_space<vmem_shared>>
      tpu.enqueue_dma source(%arg10 : memref<128x128xf32, #tpu.memory_space<vmem>>) target(%dma_start3A_79 : memref<128x128xf32, #tpu.memory_space<vmem_shared>>) target_semaphore(%run_scoped3A : memref<!tpu.dma_semaphore, #tpu.memory_space<semaphore_mem>>)
      %dma_wait3A = arith.constant 0 : i32
      %dma_wait3A_80 = tpu.memref_slice %arg11[%add3A_22, %dma_wait3A] : memref<10240x128xf32, #tpu.memory_space<vmem_shared>> -> memref<128x128xf32, #tpu.memory_space<vmem_shared>>
      %dma_wait3A_81 = arith.constant 0 : i32
      %dma_wait3A_82 = tpu.memref_slice %arg11[%add3A_22, %dma_wait3A_81] : memref<10240x128xf32, #tpu.memory_space<vmem_shared>> -> memref<128x128xf32, #tpu.memory_space<vmem_shared>>
      tpu.wait_dma2 semaphore(%run_scoped3A : memref<!tpu.dma_semaphore, #tpu.memory_space<semaphore_mem>>) src(%arg10 : memref<128x128xf32, #tpu.memory_space<vmem>>) dst(%dma_wait3A_82 : memref<128x128xf32, #tpu.memory_space<vmem_shared>>)
      tpu.yield
    }) : () -> ()
    %mul3A_23 = arith.constant 640 : i32
    %mul3A_24 = arith.muli %arg1, %mul3A_23 : i32
    %add3A_25 = arith.constant 512 : i32
    %add3A_26 = arith.addi %mul3A_24, %add3A_25 : i32
    "tpu.region"() ({
      %run_scoped3A = tpu.sem_alloc : memref<!tpu.dma_semaphore, #tpu.memory_space<semaphore_mem>>
      %dma_start3A = arith.constant 0 : i32
      %dma_start3A_77 = tpu.memref_slice %arg11[%add3A_26, %dma_start3A] : memref<10240x128xf32, #tpu.memory_space<vmem_shared>> -> memref<128x128xf32, #tpu.memory_space<vmem_shared>>
      %dma_start3A_78 = arith.constant 0 : i32
      %dma_start3A_79 = tpu.memref_slice %arg11[%add3A_26, %dma_start3A_78] : memref<10240x128xf32, #tpu.memory_space<vmem_shared>> -> memref<128x128xf32, #tpu.memory_space<vmem_shared>>
      tpu.enqueue_dma source(%arg10 : memref<128x128xf32, #tpu.memory_space<vmem>>) target(%dma_start3A_79 : memref<128x128xf32, #tpu.memory_space<vmem_shared>>) target_semaphore(%run_scoped3A : memref<!tpu.dma_semaphore, #tpu.memory_space<semaphore_mem>>)
      %dma_wait3A = arith.constant 0 : i32
      %dma_wait3A_80 = tpu.memref_slice %arg11[%add3A_26, %dma_wait3A] : memref<10240x128xf32, #tpu.memory_space<vmem_shared>> -> memref<128x128xf32, #tpu.memory_space<vmem_shared>>
      %dma_wait3A_81 = arith.constant 0 : i32
      %dma_wait3A_82 = tpu.memref_slice %arg11[%add3A_26, %dma_wait3A_81] : memref<10240x128xf32, #tpu.memory_space<vmem_shared>> -> memref<128x128xf32, #tpu.memory_space<vmem_shared>>
      tpu.wait_dma2 semaphore(%run_scoped3A : memref<!tpu.dma_semaphore, #tpu.memory_space<semaphore_mem>>) src(%arg10 : memref<128x128xf32, #tpu.memory_space<vmem>>) dst(%dma_wait3A_82 : memref<128x128xf32, #tpu.memory_space<vmem_shared>>)
      tpu.yield
    }) : () -> ()
    %mul3A_27 = arith.constant 640 : i32
    %mul3A_28 = arith.muli %arg1, %mul3A_27 : i32
    "tpu.region"() ({
      %run_scoped3A = tpu.sem_alloc : memref<!tpu.dma_semaphore, #tpu.memory_space<semaphore_mem>>
      %dma_start3A = arith.constant 0 : i32
      %dma_start3A_77 = tpu.memref_slice %arg11[%mul3A_28, %dma_start3A] : memref<10240x128xf32, #tpu.memory_space<vmem_shared>> -> memref<128x128xf32, #tpu.memory_space<vmem_shared>>
      %dma_start3A_78 = arith.constant 0 : i32
      %dma_start3A_79 = tpu.memref_slice %arg11[%mul3A_28, %dma_start3A_78] : memref<10240x128xf32, #tpu.memory_space<vmem_shared>> -> memref<128x128xf32, #tpu.memory_space<vmem_shared>>
      tpu.enqueue_dma source(%dma_start3A_79 : memref<128x128xf32, #tpu.memory_space<vmem_shared>>) target(%arg10 : memref<128x128xf32, #tpu.memory_space<vmem>>) target_semaphore(%run_scoped3A : memref<!tpu.dma_semaphore, #tpu.memory_space<semaphore_mem>>)
      %dma_wait3A = arith.constant 0 : i32
      %dma_wait3A_80 = tpu.memref_slice %arg11[%mul3A_28, %dma_wait3A] : memref<10240x128xf32, #tpu.memory_space<vmem_shared>> -> memref<128x128xf32, #tpu.memory_space<vmem_shared>>
      %dma_wait3A_81 = arith.constant 0 : i32
      %dma_wait3A_82 = tpu.memref_slice %arg11[%mul3A_28, %dma_wait3A_81] : memref<10240x128xf32, #tpu.memory_space<vmem_shared>> -> memref<128x128xf32, #tpu.memory_space<vmem_shared>>
      tpu.wait_dma2 semaphore(%run_scoped3A : memref<!tpu.dma_semaphore, #tpu.memory_space<semaphore_mem>>) src(%dma_wait3A_82 : memref<128x128xf32, #tpu.memory_space<vmem_shared>>) dst(%arg10 : memref<128x128xf32, #tpu.memory_space<vmem>>)
      tpu.yield
    }) : () -> ()
    %barrier3A = arith.constant 0 : index
    tpu.barrier barrier_id(%barrier3A)
    "tpu.region"() ({
      %run_scoped3A = tpu.sem_alloc : memref<!tpu.dma_semaphore, #tpu.memory_space<semaphore_mem>>
      %dma_start3A = arith.constant 0 : i32
      %dma_start3A_77 = arith.constant 0 : i32
      %dma_start3A_78 = tpu.memref_slice %arg2[%add3A, %dma_start3A, %dma_start3A_77] : memref<32x79x128xi32, #tpu.memory_space<hbm>> -> memref<1x79x128xi32, #tpu.memory_space<hbm>>
      %dma_start3A_79 = tpu.memref_squeeze %dma_start3A_78 : memref<1x79x128xi32, #tpu.memory_space<hbm>> -> memref<79x128xi32, #tpu.memory_space<hbm>>
      %dma_start3A_80 = arith.constant 0 : i32
      %dma_start3A_81 = arith.constant 0 : i32
      %dma_start3A_82 = tpu.memref_slice %arg2[%add3A, %dma_start3A_80, %dma_start3A_81] : memref<32x79x128xi32, #tpu.memory_space<hbm>> -> memref<1x79x128xi32, #tpu.memory_space<hbm>>
      %dma_start3A_83 = tpu.memref_squeeze %dma_start3A_82 : memref<1x79x128xi32, #tpu.memory_space<hbm>> -> memref<79x128xi32, #tpu.memory_space<hbm>>
      tpu.enqueue_dma source(%dma_start3A_83 : memref<79x128xi32, #tpu.memory_space<hbm>>) target(%arg7 : memref<79x128xi32, #tpu.memory_space<vmem>>) target_semaphore(%run_scoped3A : memref<!tpu.dma_semaphore, #tpu.memory_space<semaphore_mem>>)
      %dma_wait3A = arith.constant 0 : i32
      %dma_wait3A_84 = arith.constant 0 : i32
      %dma_wait3A_85 = tpu.memref_slice %arg2[%add3A, %dma_wait3A, %dma_wait3A_84] : memref<32x79x128xi32, #tpu.memory_space<hbm>> -> memref<1x79x128xi32, #tpu.memory_space<hbm>>
      %dma_wait3A_86 = tpu.memref_squeeze %dma_wait3A_85 : memref<1x79x128xi32, #tpu.memory_space<hbm>> -> memref<79x128xi32, #tpu.memory_space<hbm>>
      %dma_wait3A_87 = arith.constant 0 : i32
      %dma_wait3A_88 = arith.constant 0 : i32
      %dma_wait3A_89 = tpu.memref_slice %arg2[%add3A, %dma_wait3A_87, %dma_wait3A_88] : memref<32x79x128xi32, #tpu.memory_space<hbm>> -> memref<1x79x128xi32, #tpu.memory_space<hbm>>
      %dma_wait3A_90 = tpu.memref_squeeze %dma_wait3A_89 : memref<1x79x128xi32, #tpu.memory_space<hbm>> -> memref<79x128xi32, #tpu.memory_space<hbm>>
      tpu.wait_dma2 semaphore(%run_scoped3A : memref<!tpu.dma_semaphore, #tpu.memory_space<semaphore_mem>>) src(%dma_wait3A_90 : memref<79x128xi32, #tpu.memory_space<hbm>>) dst(%arg7 : memref<79x128xi32, #tpu.memory_space<vmem>>)
      tpu.yield
    }) : () -> ()
    "tpu.region"() ({
      %run_scoped3A = tpu.sem_alloc : memref<!tpu.dma_semaphore, #tpu.memory_space<semaphore_mem>>
      %dma_start3A = arith.constant 0 : i32
      %dma_start3A_77 = arith.constant 0 : i32
      %dma_start3A_78 = tpu.memref_slice %arg3[%add3A, %dma_start3A, %dma_start3A_77] : memref<32x79x128xi32, #tpu.memory_space<hbm>> -> memref<1x79x128xi32, #tpu.memory_space<hbm>>
      %dma_start3A_79 = tpu.memref_squeeze %dma_start3A_78 : memref<1x79x128xi32, #tpu.memory_space<hbm>> -> memref<79x128xi32, #tpu.memory_space<hbm>>
      %dma_start3A_80 = arith.constant 0 : i32
      %dma_start3A_81 = arith.constant 0 : i32
      %dma_start3A_82 = tpu.memref_slice %arg3[%add3A, %dma_start3A_80, %dma_start3A_81] : memref<32x79x128xi32, #tpu.memory_space<hbm>> -> memref<1x79x128xi32, #tpu.memory_space<hbm>>
      %dma_start3A_83 = tpu.memref_squeeze %dma_start3A_82 : memref<1x79x128xi32, #tpu.memory_space<hbm>> -> memref<79x128xi32, #tpu.memory_space<hbm>>
      tpu.enqueue_dma source(%dma_start3A_83 : memref<79x128xi32, #tpu.memory_space<hbm>>) target(%arg8 : memref<79x128xi32, #tpu.memory_space<vmem>>) target_semaphore(%run_scoped3A : memref<!tpu.dma_semaphore, #tpu.memory_space<semaphore_mem>>)
      %dma_wait3A = arith.constant 0 : i32
      %dma_wait3A_84 = arith.constant 0 : i32
      %dma_wait3A_85 = tpu.memref_slice %arg3[%add3A, %dma_wait3A, %dma_wait3A_84] : memref<32x79x128xi32, #tpu.memory_space<hbm>> -> memref<1x79x128xi32, #tpu.memory_space<hbm>>
      %dma_wait3A_86 = tpu.memref_squeeze %dma_wait3A_85 : memref<1x79x128xi32, #tpu.memory_space<hbm>> -> memref<79x128xi32, #tpu.memory_space<hbm>>
      %dma_wait3A_87 = arith.constant 0 : i32
      %dma_wait3A_88 = arith.constant 0 : i32
      %dma_wait3A_89 = tpu.memref_slice %arg3[%add3A, %dma_wait3A_87, %dma_wait3A_88] : memref<32x79x128xi32, #tpu.memory_space<hbm>> -> memref<1x79x128xi32, #tpu.memory_space<hbm>>
      %dma_wait3A_90 = tpu.memref_squeeze %dma_wait3A_89 : memref<1x79x128xi32, #tpu.memory_space<hbm>> -> memref<79x128xi32, #tpu.memory_space<hbm>>
      tpu.wait_dma2 semaphore(%run_scoped3A : memref<!tpu.dma_semaphore, #tpu.memory_space<semaphore_mem>>) src(%dma_wait3A_90 : memref<79x128xi32, #tpu.memory_space<hbm>>) dst(%arg8 : memref<79x128xi32, #tpu.memory_space<vmem>>)
      tpu.yield
    }) : () -> ()
    "tpu.region"() ({
      %run_scoped3A = tpu.sem_alloc : memref<!tpu.dma_semaphore, #tpu.memory_space<semaphore_mem>>
      %dma_start3A = arith.constant 0 : i32
      %dma_start3A_77 = arith.constant 0 : i32
      %dma_start3A_78 = tpu.memref_slice %arg4[%add3A, %dma_start3A, %dma_start3A_77] : memref<32x79x128xf32, #tpu.memory_space<hbm>> -> memref<1x79x128xf32, #tpu.memory_space<hbm>>
      %dma_start3A_79 = tpu.memref_squeeze %dma_start3A_78 : memref<1x79x128xf32, #tpu.memory_space<hbm>> -> memref<79x128xf32, #tpu.memory_space<hbm>>
      %dma_start3A_80 = arith.constant 0 : i32
      %dma_start3A_81 = arith.constant 0 : i32
      %dma_start3A_82 = tpu.memref_slice %arg4[%add3A, %dma_start3A_80, %dma_start3A_81] : memref<32x79x128xf32, #tpu.memory_space<hbm>> -> memref<1x79x128xf32, #tpu.memory_space<hbm>>
      %dma_start3A_83 = tpu.memref_squeeze %dma_start3A_82 : memref<1x79x128xf32, #tpu.memory_space<hbm>> -> memref<79x128xf32, #tpu.memory_space<hbm>>
      tpu.enqueue_dma source(%dma_start3A_83 : memref<79x128xf32, #tpu.memory_space<hbm>>) target(%arg9 : memref<79x128xf32, #tpu.memory_space<vmem>>) target_semaphore(%run_scoped3A : memref<!tpu.dma_semaphore, #tpu.memory_space<semaphore_mem>>)
      %dma_wait3A = arith.constant 0 : i32
      %dma_wait3A_84 = arith.constant 0 : i32
      %dma_wait3A_85 = tpu.memref_slice %arg4[%add3A, %dma_wait3A, %dma_wait3A_84] : memref<32x79x128xf32, #tpu.memory_space<hbm>> -> memref<1x79x128xf32, #tpu.memory_space<hbm>>
      %dma_wait3A_86 = tpu.memref_squeeze %dma_wait3A_85 : memref<1x79x128xf32, #tpu.memory_space<hbm>> -> memref<79x128xf32, #tpu.memory_space<hbm>>
      %dma_wait3A_87 = arith.constant 0 : i32
      %dma_wait3A_88 = arith.constant 0 : i32
      %dma_wait3A_89 = tpu.memref_slice %arg4[%add3A, %dma_wait3A_87, %dma_wait3A_88] : memref<32x79x128xf32, #tpu.memory_space<hbm>> -> memref<1x79x128xf32, #tpu.memory_space<hbm>>
      %dma_wait3A_90 = tpu.memref_squeeze %dma_wait3A_89 : memref<1x79x128xf32, #tpu.memory_space<hbm>> -> memref<79x128xf32, #tpu.memory_space<hbm>>
      tpu.wait_dma2 semaphore(%run_scoped3A : memref<!tpu.dma_semaphore, #tpu.memory_space<semaphore_mem>>) src(%dma_wait3A_90 : memref<79x128xf32, #tpu.memory_space<hbm>>) dst(%arg9 : memref<79x128xf32, #tpu.memory_space<vmem>>)
      tpu.yield
    }) : () -> ()
    %scan3A_29 = arith.constant 0 : i32
    %scan3A_30 = arith.constant 0 : i32
    %scan3A_31 = arith.constant 79 : i32
    %scan3A_32 = arith.addi %scan3A_30, %scan3A_31 : i32
    %scan3A_33 = arith.constant 1 : i32
    %scan3A_34 = scf.for %scan3A_77 = %scan3A_30 to %scan3A_32 step %scan3A_33 iter_args(%scan3A_78 = %scan3A_29) -> (i32)  : i32 {
      %scan3A_79 = arith.constant 0 : i32
      scf.yield %scan3A_79 : i32
    }
    %scan3A_35 = arith.constant 79 : i32
    %barrier3A_36 = arith.constant 0 : index
    tpu.barrier barrier_id(%barrier3A_36)
    %mul3A_37 = arith.constant 640 : i32
    %mul3A_38 = arith.muli %arg1, %mul3A_37 : i32
    %add3A_39 = arith.constant 0 : i32
    %add3A_40 = arith.addi %mul3A_38, %add3A_39 : i32
    "tpu.region"() ({
      %run_scoped3A = tpu.sem_alloc : memref<!tpu.dma_semaphore, #tpu.memory_space<semaphore_mem>>
      %dma_start3A = arith.constant 0 : i32
      %dma_start3A_77 = tpu.memref_slice %arg11[%add3A_40, %dma_start3A] : memref<10240x128xf32, #tpu.memory_space<vmem_shared>> -> memref<128x128xf32, #tpu.memory_space<vmem_shared>>
      %dma_start3A_78 = arith.constant 0 : i32
      %dma_start3A_79 = tpu.memref_slice %arg11[%add3A_40, %dma_start3A_78] : memref<10240x128xf32, #tpu.memory_space<vmem_shared>> -> memref<128x128xf32, #tpu.memory_space<vmem_shared>>
      tpu.enqueue_dma source(%dma_start3A_79 : memref<128x128xf32, #tpu.memory_space<vmem_shared>>) target(%arg10 : memref<128x128xf32, #tpu.memory_space<vmem>>) target_semaphore(%run_scoped3A : memref<!tpu.dma_semaphore, #tpu.memory_space<semaphore_mem>>)
      %dma_wait3A = arith.constant 0 : i32
      %dma_wait3A_80 = tpu.memref_slice %arg11[%add3A_40, %dma_wait3A] : memref<10240x128xf32, #tpu.memory_space<vmem_shared>> -> memref<128x128xf32, #tpu.memory_space<vmem_shared>>
      %dma_wait3A_81 = arith.constant 0 : i32
      %dma_wait3A_82 = tpu.memref_slice %arg11[%add3A_40, %dma_wait3A_81] : memref<10240x128xf32, #tpu.memory_space<vmem_shared>> -> memref<128x128xf32, #tpu.memory_space<vmem_shared>>
      tpu.wait_dma2 semaphore(%run_scoped3A : memref<!tpu.dma_semaphore, #tpu.memory_space<semaphore_mem>>) src(%dma_wait3A_82 : memref<128x128xf32, #tpu.memory_space<vmem_shared>>) dst(%arg10 : memref<128x128xf32, #tpu.memory_space<vmem>>)
      tpu.yield
    }) : () -> ()
    %mul3A_41 = arith.constant 640 : i32
    %mul3A_42 = arith.muli %arg1, %mul3A_41 : i32
    %add3A_43 = arith.constant 0 : i32
    %add3A_44 = arith.addi %mul3A_42, %add3A_43 : i32
    "tpu.region"() ({
      %run_scoped3A = tpu.sem_alloc : memref<!tpu.dma_semaphore, #tpu.memory_space<semaphore_mem>>
      %dma_start3A = arith.constant 0 : i32
      %dma_start3A_77 = tpu.memref_slice %arg6[%arg0, %add3A_44, %dma_start3A] : memref<2x10240x128xf32, #tpu.memory_space<hbm>> -> memref<1x128x128xf32, #tpu.memory_space<hbm>>
      %dma_start3A_78 = tpu.memref_squeeze %dma_start3A_77 : memref<1x128x128xf32, #tpu.memory_space<hbm>> -> memref<128x128xf32, #tpu.memory_space<hbm>>
      %dma_start3A_79 = arith.constant 0 : i32
      %dma_start3A_80 = tpu.memref_slice %arg6[%arg0, %add3A_44, %dma_start3A_79] : memref<2x10240x128xf32, #tpu.memory_space<hbm>> -> memref<1x128x128xf32, #tpu.memory_space<hbm>>
      %dma_start3A_81 = tpu.memref_squeeze %dma_start3A_80 : memref<1x128x128xf32, #tpu.memory_space<hbm>> -> memref<128x128xf32, #tpu.memory_space<hbm>>
      tpu.enqueue_dma source(%arg10 : memref<128x128xf32, #tpu.memory_space<vmem>>) target(%dma_start3A_81 : memref<128x128xf32, #tpu.memory_space<hbm>>) target_semaphore(%run_scoped3A : memref<!tpu.dma_semaphore, #tpu.memory_space<semaphore_mem>>)
      %dma_wait3A = arith.constant 0 : i32
      %dma_wait3A_82 = tpu.memref_slice %arg6[%arg0, %add3A_44, %dma_wait3A] : memref<2x10240x128xf32, #tpu.memory_space<hbm>> -> memref<1x128x128xf32, #tpu.memory_space<hbm>>
      %dma_wait3A_83 = tpu.memref_squeeze %dma_wait3A_82 : memref<1x128x128xf32, #tpu.memory_space<hbm>> -> memref<128x128xf32, #tpu.memory_space<hbm>>
      %dma_wait3A_84 = arith.constant 0 : i32
      %dma_wait3A_85 = tpu.memref_slice %arg6[%arg0, %add3A_44, %dma_wait3A_84] : memref<2x10240x128xf32, #tpu.memory_space<hbm>> -> memref<1x128x128xf32, #tpu.memory_space<hbm>>
      %dma_wait3A_86 = tpu.memref_squeeze %dma_wait3A_85 : memref<1x128x128xf32, #tpu.memory_space<hbm>> -> memref<128x128xf32, #tpu.memory_space<hbm>>
      tpu.wait_dma2 semaphore(%run_scoped3A : memref<!tpu.dma_semaphore, #tpu.memory_space<semaphore_mem>>) src(%arg10 : memref<128x128xf32, #tpu.memory_space<vmem>>) dst(%dma_wait3A_86 : memref<128x128xf32, #tpu.memory_space<hbm>>)
      tpu.yield
    }) : () -> ()
    %mul3A_45 = arith.constant 640 : i32
    %mul3A_46 = arith.muli %arg1, %mul3A_45 : i32
    %add3A_47 = arith.constant 128 : i32
    %add3A_48 = arith.addi %mul3A_46, %add3A_47 : i32
    "tpu.region"() ({
      %run_scoped3A = tpu.sem_alloc : memref<!tpu.dma_semaphore, #tpu.memory_space<semaphore_mem>>
      %dma_start3A = arith.constant 0 : i32
      %dma_start3A_77 = tpu.memref_slice %arg11[%add3A_48, %dma_start3A] : memref<10240x128xf32, #tpu.memory_space<vmem_shared>> -> memref<128x128xf32, #tpu.memory_space<vmem_shared>>
      %dma_start3A_78 = arith.constant 0 : i32
      %dma_start3A_79 = tpu.memref_slice %arg11[%add3A_48, %dma_start3A_78] : memref<10240x128xf32, #tpu.memory_space<vmem_shared>> -> memref<128x128xf32, #tpu.memory_space<vmem_shared>>
      tpu.enqueue_dma source(%dma_start3A_79 : memref<128x128xf32, #tpu.memory_space<vmem_shared>>) target(%arg10 : memref<128x128xf32, #tpu.memory_space<vmem>>) target_semaphore(%run_scoped3A : memref<!tpu.dma_semaphore, #tpu.memory_space<semaphore_mem>>)
      %dma_wait3A = arith.constant 0 : i32
      %dma_wait3A_80 = tpu.memref_slice %arg11[%add3A_48, %dma_wait3A] : memref<10240x128xf32, #tpu.memory_space<vmem_shared>> -> memref<128x128xf32, #tpu.memory_space<vmem_shared>>
      %dma_wait3A_81 = arith.constant 0 : i32
      %dma_wait3A_82 = tpu.memref_slice %arg11[%add3A_48, %dma_wait3A_81] : memref<10240x128xf32, #tpu.memory_space<vmem_shared>> -> memref<128x128xf32, #tpu.memory_space<vmem_shared>>
      tpu.wait_dma2 semaphore(%run_scoped3A : memref<!tpu.dma_semaphore, #tpu.memory_space<semaphore_mem>>) src(%dma_wait3A_82 : memref<128x128xf32, #tpu.memory_space<vmem_shared>>) dst(%arg10 : memref<128x128xf32, #tpu.memory_space<vmem>>)
      tpu.yield
    }) : () -> ()
    %mul3A_49 = arith.constant 640 : i32
    %mul3A_50 = arith.muli %arg1, %mul3A_49 : i32
    %add3A_51 = arith.constant 128 : i32
    %add3A_52 = arith.addi %mul3A_50, %add3A_51 : i32
    "tpu.region"() ({
      %run_scoped3A = tpu.sem_alloc : memref<!tpu.dma_semaphore, #tpu.memory_space<semaphore_mem>>
      %dma_start3A = arith.constant 0 : i32
      %dma_start3A_77 = tpu.memref_slice %arg6[%arg0, %add3A_52, %dma_start3A] : memref<2x10240x128xf32, #tpu.memory_space<hbm>> -> memref<1x128x128xf32, #tpu.memory_space<hbm>>
      %dma_start3A_78 = tpu.memref_squeeze %dma_start3A_77 : memref<1x128x128xf32, #tpu.memory_space<hbm>> -> memref<128x128xf32, #tpu.memory_space<hbm>>
      %dma_start3A_79 = arith.constant 0 : i32
      %dma_start3A_80 = tpu.memref_slice %arg6[%arg0, %add3A_52, %dma_start3A_79] : memref<2x10240x128xf32, #tpu.memory_space<hbm>> -> memref<1x128x128xf32, #tpu.memory_space<hbm>>
      %dma_start3A_81 = tpu.memref_squeeze %dma_start3A_80 : memref<1x128x128xf32, #tpu.memory_space<hbm>> -> memref<128x128xf32, #tpu.memory_space<hbm>>
      tpu.enqueue_dma source(%arg10 : memref<128x128xf32, #tpu.memory_space<vmem>>) target(%dma_start3A_81 : memref<128x128xf32, #tpu.memory_space<hbm>>) target_semaphore(%run_scoped3A : memref<!tpu.dma_semaphore, #tpu.memory_space<semaphore_mem>>)
      %dma_wait3A = arith.constant 0 : i32
      %dma_wait3A_82 = tpu.memref_slice %arg6[%arg0, %add3A_52, %dma_wait3A] : memref<2x10240x128xf32, #tpu.memory_space<hbm>> -> memref<1x128x128xf32, #tpu.memory_space<hbm>>
      %dma_wait3A_83 = tpu.memref_squeeze %dma_wait3A_82 : memref<1x128x128xf32, #tpu.memory_space<hbm>> -> memref<128x128xf32, #tpu.memory_space<hbm>>
      %dma_wait3A_84 = arith.constant 0 : i32
      %dma_wait3A_85 = tpu.memref_slice %arg6[%arg0, %add3A_52, %dma_wait3A_84] : memref<2x10240x128xf32, #tpu.memory_space<hbm>> -> memref<1x128x128xf32, #tpu.memory_space<hbm>>
      %dma_wait3A_86 = tpu.memref_squeeze %dma_wait3A_85 : memref<1x128x128xf32, #tpu.memory_space<hbm>> -> memref<128x128xf32, #tpu.memory_space<hbm>>
      tpu.wait_dma2 semaphore(%run_scoped3A : memref<!tpu.dma_semaphore, #tpu.memory_space<semaphore_mem>>) src(%arg10 : memref<128x128xf32, #tpu.memory_space<vmem>>) dst(%dma_wait3A_86 : memref<128x128xf32, #tpu.memory_space<hbm>>)
      tpu.yield
    }) : () -> ()
    %mul3A_53 = arith.constant 640 : i32
    %mul3A_54 = arith.muli %arg1, %mul3A_53 : i32
    %add3A_55 = arith.constant 256 : i32
    %add3A_56 = arith.addi %mul3A_54, %add3A_55 : i32
    "tpu.region"() ({
      %run_scoped3A = tpu.sem_alloc : memref<!tpu.dma_semaphore, #tpu.memory_space<semaphore_mem>>
      %dma_start3A = arith.constant 0 : i32
      %dma_start3A_77 = tpu.memref_slice %arg11[%add3A_56, %dma_start3A] : memref<10240x128xf32, #tpu.memory_space<vmem_shared>> -> memref<128x128xf32, #tpu.memory_space<vmem_shared>>
      %dma_start3A_78 = arith.constant 0 : i32
      %dma_start3A_79 = tpu.memref_slice %arg11[%add3A_56, %dma_start3A_78] : memref<10240x128xf32, #tpu.memory_space<vmem_shared>> -> memref<128x128xf32, #tpu.memory_space<vmem_shared>>
      tpu.enqueue_dma source(%dma_start3A_79 : memref<128x128xf32, #tpu.memory_space<vmem_shared>>) target(%arg10 : memref<128x128xf32, #tpu.memory_space<vmem>>) target_semaphore(%run_scoped3A : memref<!tpu.dma_semaphore, #tpu.memory_space<semaphore_mem>>)
      %dma_wait3A = arith.constant 0 : i32
      %dma_wait3A_80 = tpu.memref_slice %arg11[%add3A_56, %dma_wait3A] : memref<10240x128xf32, #tpu.memory_space<vmem_shared>> -> memref<128x128xf32, #tpu.memory_space<vmem_shared>>
      %dma_wait3A_81 = arith.constant 0 : i32
      %dma_wait3A_82 = tpu.memref_slice %arg11[%add3A_56, %dma_wait3A_81] : memref<10240x128xf32, #tpu.memory_space<vmem_shared>> -> memref<128x128xf32, #tpu.memory_space<vmem_shared>>
      tpu.wait_dma2 semaphore(%run_scoped3A : memref<!tpu.dma_semaphore, #tpu.memory_space<semaphore_mem>>) src(%dma_wait3A_82 : memref<128x128xf32, #tpu.memory_space<vmem_shared>>) dst(%arg10 : memref<128x128xf32, #tpu.memory_space<vmem>>)
      tpu.yield
    }) : () -> ()
    %mul3A_57 = arith.constant 640 : i32
    %mul3A_58 = arith.muli %arg1, %mul3A_57 : i32
    %add3A_59 = arith.constant 256 : i32
    %add3A_60 = arith.addi %mul3A_58, %add3A_59 : i32
    "tpu.region"() ({
      %run_scoped3A = tpu.sem_alloc : memref<!tpu.dma_semaphore, #tpu.memory_space<semaphore_mem>>
      %dma_start3A = arith.constant 0 : i32
      %dma_start3A_77 = tpu.memref_slice %arg6[%arg0, %add3A_60, %dma_start3A] : memref<2x10240x128xf32, #tpu.memory_space<hbm>> -> memref<1x128x128xf32, #tpu.memory_space<hbm>>
      %dma_start3A_78 = tpu.memref_squeeze %dma_start3A_77 : memref<1x128x128xf32, #tpu.memory_space<hbm>> -> memref<128x128xf32, #tpu.memory_space<hbm>>
      %dma_start3A_79 = arith.constant 0 : i32
      %dma_start3A_80 = tpu.memref_slice %arg6[%arg0, %add3A_60, %dma_start3A_79] : memref<2x10240x128xf32, #tpu.memory_space<hbm>> -> memref<1x128x128xf32, #tpu.memory_space<hbm>>
      %dma_start3A_81 = tpu.memref_squeeze %dma_start3A_80 : memref<1x128x128xf32, #tpu.memory_space<hbm>> -> memref<128x128xf32, #tpu.memory_space<hbm>>
      tpu.enqueue_dma source(%arg10 : memref<128x128xf32, #tpu.memory_space<vmem>>) target(%dma_start3A_81 : memref<128x128xf32, #tpu.memory_space<hbm>>) target_semaphore(%run_scoped3A : memref<!tpu.dma_semaphore, #tpu.memory_space<semaphore_mem>>)
      %dma_wait3A = arith.constant 0 : i32
      %dma_wait3A_82 = tpu.memref_slice %arg6[%arg0, %add3A_60, %dma_wait3A] : memref<2x10240x128xf32, #tpu.memory_space<hbm>> -> memref<1x128x128xf32, #tpu.memory_space<hbm>>
      %dma_wait3A_83 = tpu.memref_squeeze %dma_wait3A_82 : memref<1x128x128xf32, #tpu.memory_space<hbm>> -> memref<128x128xf32, #tpu.memory_space<hbm>>
      %dma_wait3A_84 = arith.constant 0 : i32
      %dma_wait3A_85 = tpu.memref_slice %arg6[%arg0, %add3A_60, %dma_wait3A_84] : memref<2x10240x128xf32, #tpu.memory_space<hbm>> -> memref<1x128x128xf32, #tpu.memory_space<hbm>>
      %dma_wait3A_86 = tpu.memref_squeeze %dma_wait3A_85 : memref<1x128x128xf32, #tpu.memory_space<hbm>> -> memref<128x128xf32, #tpu.memory_space<hbm>>
      tpu.wait_dma2 semaphore(%run_scoped3A : memref<!tpu.dma_semaphore, #tpu.memory_space<semaphore_mem>>) src(%arg10 : memref<128x128xf32, #tpu.memory_space<vmem>>) dst(%dma_wait3A_86 : memref<128x128xf32, #tpu.memory_space<hbm>>)
      tpu.yield
    }) : () -> ()
    %mul3A_61 = arith.constant 640 : i32
    %mul3A_62 = arith.muli %arg1, %mul3A_61 : i32
    %add3A_63 = arith.constant 384 : i32
    %add3A_64 = arith.addi %mul3A_62, %add3A_63 : i32
    "tpu.region"() ({
      %run_scoped3A = tpu.sem_alloc : memref<!tpu.dma_semaphore, #tpu.memory_space<semaphore_mem>>
      %dma_start3A = arith.constant 0 : i32
      %dma_start3A_77 = tpu.memref_slice %arg11[%add3A_64, %dma_start3A] : memref<10240x128xf32, #tpu.memory_space<vmem_shared>> -> memref<128x128xf32, #tpu.memory_space<vmem_shared>>
      %dma_start3A_78 = arith.constant 0 : i32
      %dma_start3A_79 = tpu.memref_slice %arg11[%add3A_64, %dma_start3A_78] : memref<10240x128xf32, #tpu.memory_space<vmem_shared>> -> memref<128x128xf32, #tpu.memory_space<vmem_shared>>
      tpu.enqueue_dma source(%dma_start3A_79 : memref<128x128xf32, #tpu.memory_space<vmem_shared>>) target(%arg10 : memref<128x128xf32, #tpu.memory_space<vmem>>) target_semaphore(%run_scoped3A : memref<!tpu.dma_semaphore, #tpu.memory_space<semaphore_mem>>)
      %dma_wait3A = arith.constant 0 : i32
      %dma_wait3A_80 = tpu.memref_slice %arg11[%add3A_64, %dma_wait3A] : memref<10240x128xf32, #tpu.memory_space<vmem_shared>> -> memref<128x128xf32, #tpu.memory_space<vmem_shared>>
      %dma_wait3A_81 = arith.constant 0 : i32
      %dma_wait3A_82 = tpu.memref_slice %arg11[%add3A_64, %dma_wait3A_81] : memref<10240x128xf32, #tpu.memory_space<vmem_shared>> -> memref<128x128xf32, #tpu.memory_space<vmem_shared>>
      tpu.wait_dma2 semaphore(%run_scoped3A : memref<!tpu.dma_semaphore, #tpu.memory_space<semaphore_mem>>) src(%dma_wait3A_82 : memref<128x128xf32, #tpu.memory_space<vmem_shared>>) dst(%arg10 : memref<128x128xf32, #tpu.memory_space<vmem>>)
      tpu.yield
    }) : () -> ()
    %mul3A_65 = arith.constant 640 : i32
    %mul3A_66 = arith.muli %arg1, %mul3A_65 : i32
    %add3A_67 = arith.constant 384 : i32
    %add3A_68 = arith.addi %mul3A_66, %add3A_67 : i32
    "tpu.region"() ({
      %run_scoped3A = tpu.sem_alloc : memref<!tpu.dma_semaphore, #tpu.memory_space<semaphore_mem>>
      %dma_start3A = arith.constant 0 : i32
      %dma_start3A_77 = tpu.memref_slice %arg6[%arg0, %add3A_68, %dma_start3A] : memref<2x10240x128xf32, #tpu.memory_space<hbm>> -> memref<1x128x128xf32, #tpu.memory_space<hbm>>
      %dma_start3A_78 = tpu.memref_squeeze %dma_start3A_77 : memref<1x128x128xf32, #tpu.memory_space<hbm>> -> memref<128x128xf32, #tpu.memory_space<hbm>>
      %dma_start3A_79 = arith.constant 0 : i32
      %dma_start3A_80 = tpu.memref_slice %arg6[%arg0, %add3A_68, %dma_start3A_79] : memref<2x10240x128xf32, #tpu.memory_space<hbm>> -> memref<1x128x128xf32, #tpu.memory_space<hbm>>
      %dma_start3A_81 = tpu.memref_squeeze %dma_start3A_80 : memref<1x128x128xf32, #tpu.memory_space<hbm>> -> memref<128x128xf32, #tpu.memory_space<hbm>>
      tpu.enqueue_dma source(%arg10 : memref<128x128xf32, #tpu.memory_space<vmem>>) target(%dma_start3A_81 : memref<128x128xf32, #tpu.memory_space<hbm>>) target_semaphore(%run_scoped3A : memref<!tpu.dma_semaphore, #tpu.memory_space<semaphore_mem>>)
      %dma_wait3A = arith.constant 0 : i32
      %dma_wait3A_82 = tpu.memref_slice %arg6[%arg0, %add3A_68, %dma_wait3A] : memref<2x10240x128xf32, #tpu.memory_space<hbm>> -> memref<1x128x128xf32, #tpu.memory_space<hbm>>
      %dma_wait3A_83 = tpu.memref_squeeze %dma_wait3A_82 : memref<1x128x128xf32, #tpu.memory_space<hbm>> -> memref<128x128xf32, #tpu.memory_space<hbm>>
      %dma_wait3A_84 = arith.constant 0 : i32
      %dma_wait3A_85 = tpu.memref_slice %arg6[%arg0, %add3A_68, %dma_wait3A_84] : memref<2x10240x128xf32, #tpu.memory_space<hbm>> -> memref<1x128x128xf32, #tpu.memory_space<hbm>>
      %dma_wait3A_86 = tpu.memref_squeeze %dma_wait3A_85 : memref<1x128x128xf32, #tpu.memory_space<hbm>> -> memref<128x128xf32, #tpu.memory_space<hbm>>
      tpu.wait_dma2 semaphore(%run_scoped3A : memref<!tpu.dma_semaphore, #tpu.memory_space<semaphore_mem>>) src(%arg10 : memref<128x128xf32, #tpu.memory_space<vmem>>) dst(%dma_wait3A_86 : memref<128x128xf32, #tpu.memory_space<hbm>>)
      tpu.yield
    }) : () -> ()
    %mul3A_69 = arith.constant 640 : i32
    %mul3A_70 = arith.muli %arg1, %mul3A_69 : i32
    %add3A_71 = arith.constant 512 : i32
    %add3A_72 = arith.addi %mul3A_70, %add3A_71 : i32
    "tpu.region"() ({
      %run_scoped3A = tpu.sem_alloc : memref<!tpu.dma_semaphore, #tpu.memory_space<semaphore_mem>>
      %dma_start3A = arith.constant 0 : i32
      %dma_start3A_77 = tpu.memref_slice %arg11[%add3A_72, %dma_start3A] : memref<10240x128xf32, #tpu.memory_space<vmem_shared>> -> memref<128x128xf32, #tpu.memory_space<vmem_shared>>
      %dma_start3A_78 = arith.constant 0 : i32
      %dma_start3A_79 = tpu.memref_slice %arg11[%add3A_72, %dma_start3A_78] : memref<10240x128xf32, #tpu.memory_space<vmem_shared>> -> memref<128x128xf32, #tpu.memory_space<vmem_shared>>
      tpu.enqueue_dma source(%dma_start3A_79 : memref<128x128xf32, #tpu.memory_space<vmem_shared>>) target(%arg10 : memref<128x128xf32, #tpu.memory_space<vmem>>) target_semaphore(%run_scoped3A : memref<!tpu.dma_semaphore, #tpu.memory_space<semaphore_mem>>)
      %dma_wait3A = arith.constant 0 : i32
      %dma_wait3A_80 = tpu.memref_slice %arg11[%add3A_72, %dma_wait3A] : memref<10240x128xf32, #tpu.memory_space<vmem_shared>> -> memref<128x128xf32, #tpu.memory_space<vmem_shared>>
      %dma_wait3A_81 = arith.constant 0 : i32
      %dma_wait3A_82 = tpu.memref_slice %arg11[%add3A_72, %dma_wait3A_81] : memref<10240x128xf32, #tpu.memory_space<vmem_shared>> -> memref<128x128xf32, #tpu.memory_space<vmem_shared>>
      tpu.wait_dma2 semaphore(%run_scoped3A : memref<!tpu.dma_semaphore, #tpu.memory_space<semaphore_mem>>) src(%dma_wait3A_82 : memref<128x128xf32, #tpu.memory_space<vmem_shared>>) dst(%arg10 : memref<128x128xf32, #tpu.memory_space<vmem>>)
      tpu.yield
    }) : () -> ()
    %mul3A_73 = arith.constant 640 : i32
    %mul3A_74 = arith.muli %arg1, %mul3A_73 : i32
    %add3A_75 = arith.constant 512 : i32
    %add3A_76 = arith.addi %mul3A_74, %add3A_75 : i32
    "tpu.region"() ({
      %run_scoped3A = tpu.sem_alloc : memref<!tpu.dma_semaphore, #tpu.memory_space<semaphore_mem>>
      %dma_start3A = arith.constant 0 : i32
      %dma_start3A_77 = tpu.memref_slice %arg6[%arg0, %add3A_76, %dma_start3A] : memref<2x10240x128xf32, #tpu.memory_space<hbm>> -> memref<1x128x128xf32, #tpu.memory_space<hbm>>
      %dma_start3A_78 = tpu.memref_squeeze %dma_start3A_77 : memref<1x128x128xf32, #tpu.memory_space<hbm>> -> memref<128x128xf32, #tpu.memory_space<hbm>>
      %dma_start3A_79 = arith.constant 0 : i32
      %dma_start3A_80 = tpu.memref_slice %arg6[%arg0, %add3A_76, %dma_start3A_79] : memref<2x10240x128xf32, #tpu.memory_space<hbm>> -> memref<1x128x128xf32, #tpu.memory_space<hbm>>
      %dma_start3A_81 = tpu.memref_squeeze %dma_start3A_80 : memref<1x128x128xf32, #tpu.memory_space<hbm>> -> memref<128x128xf32, #tpu.memory_space<hbm>>
      tpu.enqueue_dma source(%arg10 : memref<128x128xf32, #tpu.memory_space<vmem>>) target(%dma_start3A_81 : memref<128x128xf32, #tpu.memory_space<hbm>>) target_semaphore(%run_scoped3A : memref<!tpu.dma_semaphore, #tpu.memory_space<semaphore_mem>>)
      %dma_wait3A = arith.constant 0 : i32
      %dma_wait3A_82 = tpu.memref_slice %arg6[%arg0, %add3A_76, %dma_wait3A] : memref<2x10240x128xf32, #tpu.memory_space<hbm>> -> memref<1x128x128xf32, #tpu.memory_space<hbm>>
      %dma_wait3A_83 = tpu.memref_squeeze %dma_wait3A_82 : memref<1x128x128xf32, #tpu.memory_space<hbm>> -> memref<128x128xf32, #tpu.memory_space<hbm>>
      %dma_wait3A_84 = arith.constant 0 : i32
      %dma_wait3A_85 = tpu.memref_slice %arg6[%arg0, %add3A_76, %dma_wait3A_84] : memref<2x10240x128xf32, #tpu.memory_space<hbm>> -> memref<1x128x128xf32, #tpu.memory_space<hbm>>
      %dma_wait3A_86 = tpu.memref_squeeze %dma_wait3A_85 : memref<1x128x128xf32, #tpu.memory_space<hbm>> -> memref<128x128xf32, #tpu.memory_space<hbm>>
      tpu.wait_dma2 semaphore(%run_scoped3A : memref<!tpu.dma_semaphore, #tpu.memory_space<semaphore_mem>>) src(%arg10 : memref<128x128xf32, #tpu.memory_space<vmem>>) dst(%dma_wait3A_86 : memref<128x128xf32, #tpu.memory_space<hbm>>)
      tpu.yield
    }) : () -> ()
    return
  }
}

module attributes {stable_mosaic.version = 14 : i64} {
  func.func @_prescale_body(%arg0: i32, %arg1: memref<128x128xf32, #tpu.memory_space<vmem>>, %arg2: memref<128x128xf32, #tpu.memory_space<vmem>>, %arg3: memref<1x1x128xf32, #tpu.memory_space<vmem>>, %arg4: memref<1x1x128xf32, #tpu.memory_space<vmem>>, %arg5: memref<128x128xf32, #tpu.memory_space<vmem>>, %arg6: memref<1x1x128xf32, #tpu.memory_space<vmem>>) attributes {dimension_semantics = [#tpu.dimension_semantics<arbitrary>], iteration_bounds = array<i64: 80>, scalar_prefetch = 0 : i64, scratch_operands = 0 : i64, tpu.core_type = #tpu.core_type<tc>, window_params = [{transform_indices = @transform_0, window_bounds = array<i64: 128, 128>}, {pipeline_mode = #tpu.pipeline_mode<synchronous>, transform_indices = @transform_1, window_bounds = array<i64: 128, 128>}, {transform_indices = @transform_2, window_bounds = array<i64: 1, 1, 128>}, {transform_indices = @transform_3, window_bounds = array<i64: 1, 1, 128>}, {transform_indices = @transform_4, window_bounds = array<i64: 128, 128>}, {transform_indices = @transform_5, window_bounds = array<i64: 1, 1, 128>}]} {
    %get3A = arith.constant 0 : index
    %get3A_0 = arith.constant 0 : index
    %get3A_1 = vector.load %arg1[%get3A, %get3A_0] : memref<128x128xf32, #tpu.memory_space<vmem>>, vector<128x128xf32>
    %get3A_2 = arith.constant 0 : index
    %get3A_3 = arith.constant 0 : index
    %get3A_4 = vector.load %arg2[%get3A_2, %get3A_3] : memref<128x128xf32, #tpu.memory_space<vmem>>, vector<128x128xf32>
    %dot_general3A = arith.constant dense<0.000000e+00> : vector<128x128xf32>
    %dot_general3A_5 = tpu.matmul %get3A_1, %get3A_4, %dot_general3A {dimension_numbers = #tpu.dot_dimension_numbers<[1], [0], [0], [1], [0, 0, 1, 1], [], []>, transpose_lhs_hint = false} : vector<128x128xf32>, vector<128x128xf32>, vector<128x128xf32> -> vector<128x128xf32>
    %get3A_6 = arith.constant 0 : index
    %get3A_7 = arith.constant 0 : index
    %get3A_8 = arith.constant 0 : index
    %get3A_9 = vector.load %arg3[%get3A_6, %get3A_7, %get3A_8] : memref<1x1x128xf32, #tpu.memory_space<vmem>>, vector<1x1x128xf32>
    %get3A_10 = vector.shape_cast %get3A_9 : vector<1x1x128xf32> to vector<128xf32>
    %get3A_11 = arith.constant 0 : index
    %get3A_12 = arith.constant 0 : index
    %get3A_13 = arith.constant 0 : index
    %get3A_14 = vector.load %arg4[%get3A_11, %get3A_12, %get3A_13] : memref<1x1x128xf32, #tpu.memory_space<vmem>>, vector<1x1x128xf32>
    %get3A_15 = vector.shape_cast %get3A_14 : vector<1x1x128xf32> to vector<128xf32>
    %add3A = arith.addf %get3A_10, %get3A_15 : vector<128xf32>
    %add3A_16 = arith.constant 1.000000e+00 : f32
    %add3A_17 = vector.broadcast %add3A_16 : f32 to vector<128xf32>
    %add3A_18 = arith.addf %add3A, %add3A_17 : vector<128xf32>
    %gt3A = arith.constant 0.000000e+00 : f32
    %gt3A_19 = vector.broadcast %gt3A : f32 to vector<128xf32>
    %gt3A_20 = arith.cmpf ogt, %add3A_18, %gt3A_19 : vector<128xf32>
    %rsqrt3A = math.rsqrt %add3A_18 : vector<128xf32>
    %jit3A = arith.constant 0.000000e+00 : f32
    %broadcast_in_dim3A = vector.broadcast %jit3A : f32 to vector<128xf32>
    %select_n3A = arith.select %gt3A_20, %rsqrt3A, %broadcast_in_dim3A : vector<128xi1>, vector<128xf32>
    %broadcast_in_dim3A_21 = vector.shape_cast %select_n3A : vector<128xf32> to vector<128x1xf32>
    %mul3A = vector.broadcast %broadcast_in_dim3A_21 : vector<128x1xf32> to vector<128x128xf32>
    %mul3A_22 = arith.mulf %dot_general3A_5, %mul3A : vector<128x128xf32>
    %swap3A = arith.constant 0 : index
    %swap3A_23 = arith.constant 0 : index
    %swap3A_24 = vector.load %arg5[%swap3A, %swap3A_23] : memref<128x128xf32, #tpu.memory_space<vmem>>, vector<128x128xf32>
    tpu.vector_store %arg5[%swap3A, %swap3A_23], %mul3A_22 {strides = array<i32>} : memref<128x128xf32, #tpu.memory_space<vmem>>, vector<128x128xf32>,
    %broadcast_in_dim3A_25 = vector.shape_cast %select_n3A : vector<128xf32> to vector<1x1x128xf32>
    %swap3A_26 = arith.constant 0 : index
    %swap3A_27 = arith.constant 0 : index
    %swap3A_28 = arith.constant 0 : index
    %swap3A_29 = vector.load %arg6[%swap3A_26, %swap3A_27, %swap3A_28] : memref<1x1x128xf32, #tpu.memory_space<vmem>>, vector<1x1x128xf32>
    tpu.vector_store %arg6[%swap3A_26, %swap3A_27, %swap3A_28], %broadcast_in_dim3A_25 {strides = array<i32>} : memref<1x1x128xf32, #tpu.memory_space<vmem>>, vector<1x1x128xf32>,
    return
  }
  func.func @transform_0(%arg0: i32) -> (i32, i32) {
    %c0_i32 = arith.constant 0 : i32
    %c0_i32_0 = arith.constant 0 : i32
    return %arg0, %c0_i32 : i32, i32
  }
  func.func @transform_1(%arg0: i32) -> (i32, i32) {
    %c0_i32 = arith.constant 0 : i32
    %c0_i32_0 = arith.constant 0 : i32
    %c0_i32_1 = arith.constant 0 : i32
    return %c0_i32, %c0_i32_0 : i32, i32
  }
  func.func @transform_2(%arg0: i32) -> (i32, i32, i32) {
    %c0_i32 = arith.constant 0 : i32
    %c0_i32_0 = arith.constant 0 : i32
    %c0_i32_1 = arith.constant 0 : i32
    return %arg0, %c0_i32, %c0_i32_0 : i32, i32, i32
  }
  func.func @transform_3(%arg0: i32) -> (i32, i32, i32) {
    %c0_i32 = arith.constant 0 : i32
    %c0_i32_0 = arith.constant 0 : i32
    %c0_i32_1 = arith.constant 0 : i32
    return %arg0, %c0_i32, %c0_i32_0 : i32, i32, i32
  }
  func.func @transform_4(%arg0: i32) -> (i32, i32) {
    %c0_i32 = arith.constant 0 : i32
    %c0_i32_0 = arith.constant 0 : i32
    return %arg0, %c0_i32 : i32, i32
  }
  func.func @transform_5(%arg0: i32) -> (i32, i32, i32) {
    %c0_i32 = arith.constant 0 : i32
    %c0_i32_0 = arith.constant 0 : i32
    %c0_i32_1 = arith.constant 0 : i32
    return %arg0, %c0_i32, %c0_i32_0 : i32, i32, i32
  }
}

module attributes {stable_mosaic.version = 14 : i64} {
  func.func @_finish_body(%arg0: i32, %arg1: memref<2x128x128xf32, #tpu.memory_space<vmem>>, %arg2: memref<128x128xf32, #tpu.memory_space<vmem>>, %arg3: memref<1x1x128xf32, #tpu.memory_space<vmem>>, %arg4: memref<1x128xf32, #tpu.memory_space<vmem>>, %arg5: memref<128x128xf32, #tpu.memory_space<vmem>>) attributes {dimension_semantics = [#tpu.dimension_semantics<arbitrary>], iteration_bounds = array<i64: 80>, scalar_prefetch = 0 : i64, scratch_operands = 0 : i64, tpu.core_type = #tpu.core_type<tc>, window_params = [{transform_indices = @transform_0, window_bounds = array<i64: 2, 128, 128>}, {transform_indices = @transform_1, window_bounds = array<i64: 128, 128>}, {transform_indices = @transform_2, window_bounds = array<i64: 1, 1, 128>}, {pipeline_mode = #tpu.pipeline_mode<synchronous>, transform_indices = @transform_3, window_bounds = array<i64: 1, 128>}, {transform_indices = @transform_4, window_bounds = array<i64: 128, 128>}]} {
    %get3A = arith.constant 0 : index
    %get3A_0 = arith.constant 0 : index
    %get3A_1 = arith.constant 0 : index
    %get3A_2 = vector.load %arg1[%get3A, %get3A_0, %get3A_1] : memref<2x128x128xf32, #tpu.memory_space<vmem>>, vector<1x128x128xf32>
    %get3A_3 = vector.shape_cast %get3A_2 : vector<1x128x128xf32> to vector<128x128xf32>
    %get3A_4 = arith.constant 1 : index
    %get3A_5 = arith.constant 0 : index
    %get3A_6 = arith.constant 0 : index
    %get3A_7 = vector.load %arg1[%get3A_4, %get3A_5, %get3A_6] : memref<2x128x128xf32, #tpu.memory_space<vmem>>, vector<1x128x128xf32>
    %get3A_8 = vector.shape_cast %get3A_7 : vector<1x128x128xf32> to vector<128x128xf32>
    %add3A = arith.addf %get3A_3, %get3A_8 : vector<128x128xf32>
    %get3A_9 = arith.constant 0 : index
    %get3A_10 = arith.constant 0 : index
    %get3A_11 = vector.load %arg2[%get3A_9, %get3A_10] : memref<128x128xf32, #tpu.memory_space<vmem>>, vector<128x128xf32>
    %add3A_12 = arith.addf %add3A, %get3A_11 : vector<128x128xf32>
    %get3A_13 = arith.constant 0 : index
    %get3A_14 = arith.constant 0 : index
    %get3A_15 = arith.constant 0 : index
    %get3A_16 = vector.load %arg3[%get3A_13, %get3A_14, %get3A_15] : memref<1x1x128xf32, #tpu.memory_space<vmem>>, vector<1x1x128xf32>
    %get3A_17 = vector.shape_cast %get3A_16 : vector<1x1x128xf32> to vector<128xf32>
    %broadcast_in_dim3A = vector.shape_cast %get3A_17 : vector<128xf32> to vector<128x1xf32>
    %mul3A = vector.broadcast %broadcast_in_dim3A : vector<128x1xf32> to vector<128x128xf32>
    %mul3A_18 = arith.mulf %add3A_12, %mul3A : vector<128x128xf32>
    %get3A_19 = arith.constant 0 : index
    %get3A_20 = arith.constant 0 : index
    %get3A_21 = vector.load %arg4[%get3A_19, %get3A_20] : memref<1x128xf32, #tpu.memory_space<vmem>>, vector<1x128xf32>
    %add3A_22 = vector.broadcast %get3A_21 : vector<1x128xf32> to vector<128x128xf32>
    %add3A_23 = arith.addf %mul3A_18, %add3A_22 : vector<128x128xf32>
    %mul3A_24 = arith.constant 5.000000e-01 : f32
    %mul3A_25 = vector.broadcast %mul3A_24 : f32 to vector<128x128xf32>
    %mul3A_26 = arith.mulf %mul3A_25, %add3A_23 : vector<128x128xf32>
    %mul3A_27 = arith.constant 0.707106769 : f32
    %mul3A_28 = vector.broadcast %mul3A_27 : f32 to vector<128x128xf32>
    %mul3A_29 = arith.mulf %add3A_23, %mul3A_28 : vector<128x128xf32>
    %erf3A = math.erf %mul3A_29 : vector<128x128xf32>
    %add3A_30 = arith.constant 1.000000e+00 : f32
    %add3A_31 = vector.broadcast %add3A_30 : f32 to vector<128x128xf32>
    %add3A_32 = arith.addf %add3A_31, %erf3A : vector<128x128xf32>
    %mul3A_33 = arith.mulf %mul3A_26, %add3A_32 : vector<128x128xf32>
    %swap3A = arith.constant 0 : index
    %swap3A_34 = arith.constant 0 : index
    %swap3A_35 = vector.load %arg5[%swap3A, %swap3A_34] : memref<128x128xf32, #tpu.memory_space<vmem>>, vector<128x128xf32>
    tpu.vector_store %arg5[%swap3A, %swap3A_34], %mul3A_33 {strides = array<i32>} : memref<128x128xf32, #tpu.memory_space<vmem>>, vector<128x128xf32>,
    return
  }
  func.func @transform_0(%arg0: i32) -> (i32, i32, i32) {
    %c0_i32 = arith.constant 0 : i32
    %c0_i32_0 = arith.constant 0 : i32
    %c0_i32_1 = arith.constant 0 : i32
    return %c0_i32, %arg0, %c0_i32_0 : i32, i32, i32
  }
  func.func @transform_1(%arg0: i32) -> (i32, i32) {
    %c0_i32 = arith.constant 0 : i32
    %c0_i32_0 = arith.constant 0 : i32
    return %arg0, %c0_i32 : i32, i32
  }
  func.func @transform_2(%arg0: i32) -> (i32, i32, i32) {
    %c0_i32 = arith.constant 0 : i32
    %c0_i32_0 = arith.constant 0 : i32
    %c0_i32_1 = arith.constant 0 : i32
    return %arg0, %c0_i32, %c0_i32_0 : i32, i32, i32
  }
  func.func @transform_3(%arg0: i32) -> (i32, i32) {
    %c0_i32 = arith.constant 0 : i32
    %c0_i32_0 = arith.constant 0 : i32
    %c0_i32_1 = arith.constant 0 : i32
    return %c0_i32, %c0_i32_0 : i32, i32
  }
  func.func @transform_4(%arg0: i32) -> (i32, i32) {
    %c0_i32 = arith.constant 0 : i32
    %c0_i32_0 = arith.constant 0 : i32
    return %arg0, %c0_i32 : i32, i32
  }
}

</mosaic_0001>

<sc_bundles>
// kernel: kernel.6.cloned.1.call-start
scs
__scs_entry_jumppad:
0x0: {  	(pc) =	sbr.rel $0x88, $3  }
0x1: {  	(tag) =	ssettag $0x0;
	lr =	simm.s32 $0x1  }
0x2: {  	[smem:$0x3F9C] =	sst lr;
	_ =	strace $0xD0000000  }
0x3: {  	_ = 	snop  }
0x4: {  	_ = 	snop  }
0x5: {  	_ = 	snop  }
0x6: {  	_ = 	snop  }
0x7: {  	_ = 	snop  }
__scs_overlays_trampoline_lowered:
0x8: {  	[smem:$0x3FAB] =	sst s0  }
0x9: {  	[smem:$0x3FAC] =	sst s1  }
0xa: {  	[smem:$0x3FAD] =	sst s2  }
0xb: {  	[smem:$0x3FAE] =	sst s3  }
0xc: {  	[smem:$0x3FAF] =	sst s4  }
0xd: {  	[smem:$0x3FB0] =	sst s5  }
0xe: {  	[smem:$0x3FB1] =	sst s6  }
0xf: {  	[smem:$0x3FB2] =	sst s7  }
0x10: {  	[smem:$0x3FB3] =	sst s8  }
0x11: {  	[smem:$0x3FB4] =	sst s9;
	s0 =	simm.s32 @!p0 $0x0  }
0x12: {  	s1 =	sld [smem:$0x3F9A];
	s0 =	simm.s32 @p0 $0x1  }
0x13: {  	[smem:$0x3FB5] =	sst s0;
	s0 =	simm.s32 @!p1 $0x0  }
0x14: {  	s2 =	sld [smem:$0x3F99];
	s0 =	simm.s32 @p1 $0x1  }
0x15: {  	[smem:$0x3FB6] =	sst s0;
	s0 =	simm.s32 @!p2 $0x0  }
0x16: {  	s3 =	sld [smem:$0x3FDB];
	s0 =	simm.s32 @p2 $0x1  }
0x17: {  	s4 =	simm.s32 $0x1BF5;
	[smem:$0x3FB8] =	sst s0  }
0x18: {  	s0 =	sld [smem:$0x3F9B];
	_ =	swait.ge [sflag:s4], $0x0  }
0x19: {  	s7 =	sld [smem:$0x3F9C]  }
0x1a: {  	s8 =	sadd.s32 $0xFFFFE003, lr  }
0x1b: {  	s9 =	sadd.s32 $0xFFFFFEF7, lr;
	s5 =	simm.s32 $0xFFFFFFFF;
	p2 =	slt.u32 s8, $0xFFFFF086  }
0x1c: {  	p1 =	slt.u32 s9, $0xF7A;
	s5 =	simm.s32 @!p2 $0x0  }
0x1d: {  	s5 =	simm.s32 @p1 $0x1;
	p0 =	seq.s32 s7, s2  }
0x1e: {  	s7 =	smul.u32 @!p0 $0xF7A, s2;
	p2 =	seq.s32 @!p0 s5, $0x0  }
0x1f: {  	s9 =	smul.u32 $0xF7A, s1;
	s8 =	simm.s32 @!p0 $0x1BF5;
	p2 =	por !p2, p0  }
0x20: {  	[sflag:s8] =	ssyncset.s32 @!p0 $0xFFFFF086;
	s6 =	sadd.s32 @!p0 s3, s7;
	s7 =	simm.s32 @!p0 $0x108  }
0x21: {  	s3 =	sadd.s32 s3, s9;
	s6 =	sadd.s32 @!p0 $0x88, s6;
	s7 =	simm.s32 @p2 $0x1082  }
0x22: {  	[simem:s7], [sflag:s8] =	dma.local @!p0 [hbm:s6], $0xF7A  }
0x23: {  	s9 =	sor.u32 $0xD0000000, s2;
	s6 =	simm.s32 $0x108;
	_ =	swait.ge @!p0 [sflag:s8], $0x0  }
0x24: {  	s3 =	sadd.s32 $0x88, s3;
	s6 =	simm.s32 @!p1 $0x1082;
	[sflag:s4] =	ssyncset.s32 $0xFFFFF086  }
0x25: {  	[simem:s6], [sflag:s4] =	dma.local [hbm:s3], $0xF7A  }
0x26: {  	[smem:$0x3F9C] =	sst s1;
	(tag) =	ssettag s2;
	_ =	strace s9  }
0x27: {  	s1 =	sld [smem:$0x3FAC]  }
0x28: {  	s2 =	sld [smem:$0x3FAD]  }
0x29: {  	s4 =	sld [smem:$0x3FAF]  }
0x2a: {  	p0 =	seq.s32 s5, $0x0;
	s5 =	sld [smem:$0x3FB0]  }
0x2b: {  	s6 =	sld [smem:$0x3FB1]  }
0x2c: {  	s7 =	sld [smem:$0x3FB2]  }
0x2d: {  	s3 =	simm.s32 $0x108;
	s8 =	sld [smem:$0x3FB3]  }
0x2e: {  	s3 =	simm.s32 @!p0 $0x1082;
	s9 =	sld [smem:$0x3FB4]  }
0x2f: {  	lr =	sadd.s32 s0, s3;
	s0 =	sld [smem:$0x3FAB]  }
0x30: {  	s3 =	sld [smem:$0x3FAE]  }
0x31: {  	[smem:$0x3FB7] =	sst s10  }
0x32: {  	s10 =	sld [smem:$0x3FB5];
	_ =	sdelay $0x3  }
0x33: {  	p0 =	seq.s32 s10, $0x1;
	s10 =	sld [smem:$0x3FB7];
	_ =	sdelay $0x3  }
0x34: {  	[smem:$0x3FB7] =	sst s10  }
0x35: {  	s10 =	sld [smem:$0x3FB6];
	_ =	sdelay $0x3  }
0x36: {  	p1 =	seq.s32 s10, $0x1;
	s10 =	sld [smem:$0x3FB7];
	_ =	sdelay $0x3  }
0x37: {  	[smem:$0x3FB7] =	sst s10  }
0x38: {  	s10 =	sld [smem:$0x3FB8]  }
0x39: {  	_ = 	snop;
	(pc) =	sbr.ind lr, $3  }
0x3a: {  	_ = 	snop  }
0x3b: {  	_ = 	snop  }
0x3c: {  	p2 =	seq.s32 s10, $0x1;
	s10 =	sld [smem:$0x3FB7]  }
0x3d: {  	_ =	shalt  }
0x3e: {  	_ =	shalt  }
0x3f: {  	_ =	shalt  }
0x40: {  	_ =	shalt  }
0x41: {  	_ =	shalt  }
0x42: {  	_ =	shalt  }
0x43: {  	_ =	shalt  }
0x44: {  	_ =	shalt  }
0x45: {  	_ =	shalt  }
0x46: {  	_ =	shalt  }
0x47: {  	_ =	shalt  }
0x48: {  	_ =	shalt  }
0x49: {  	_ =	shalt  }
0x4a: {  	_ =	shalt  }
0x4b: {  	_ =	shalt  }
0x4c: {  	_ =	shalt  }
0x4d: {  	_ =	shalt  }
0x4e: {  	_ =	shalt  }
0x4f: {  	_ =	shalt  }
0x50: {  	_ =	shalt  }
0x51: {  	_ =	shalt  }
0x52: {  	_ =	shalt  }
0x53: {  	_ =	shalt  }
0x54: {  	_ =	shalt  }
0x55: {  	_ =	shalt  }
0x56: {  	_ =	shalt  }
0x57: {  	_ =	shalt  }
0x58: {  	_ =	shalt  }
0x59: {  	_ =	shalt  }
0x5a: {  	_ =	shalt  }
0x5b: {  	_ =	shalt  }
0x5c: {  	_ =	shalt  }
0x5d: {  	_ =	shalt  }
0x5e: {  	_ =	shalt  }
0x5f: {  	_ =	shalt  }
0x60: {  	_ =	shalt  }
0x61: {  	_ =	shalt  }
0x62: {  	_ =	shalt  }
0x63: {  	_ =	shalt  }
0x64: {  	_ =	shalt  }
0x65: {  	_ =	shalt  }
0x66: {  	_ =	shalt  }
0x67: {  	_ =	shalt  }
0x68: {  	_ =	shalt  }
0x69: {  	_ =	shalt  }
0x6a: {  	_ =	shalt  }
0x6b: {  	_ =	shalt  }
0x6c: {  	_ =	shalt  }
0x6d: {  	_ =	shalt  }
0x6e: {  	_ =	shalt  }
0x6f: {  	_ =	shalt  }
0x70: {  	_ =	shalt  }
0x71: {  	_ =	shalt  }
0x72: {  	_ =	shalt  }
0x73: {  	_ =	shalt  }
0x74: {  	_ =	shalt  }
0x75: {  	_ =	shalt  }
0x76: {  	_ =	shalt  }
0x77: {  	_ =	shalt  }
0x78: {  	_ =	shalt  }
0x79: {  	_ =	shalt  }
0x7a: {  	_ =	shalt  }
0x7b: {  	_ =	shalt  }
0x7c: {  	_ =	shalt  }
0x7d: {  	_ =	shalt  }
0x7e: {  	_ =	shalt  }
0x7f: {  	_ =	shalt  }
0x80: {  	_ =	shalt  }
0x81: {  	_ =	shalt  }
0x82: {  	_ =	shalt  }
0x83: {  	_ =	shalt  }
0x84: {  	_ =	shalt  }
0x85: {  	_ =	shalt  }
0x86: {  	_ =	shalt  }
0x87: {  	_ =	shalt  }
.Lfunc_end0:
.L_simem_size_0:
called_computation_lowered:
.L_overlay_start_0:
0x88: {  	s2 =	sld [smem:$0x3FD9]  }
0x89: {  	s3 =	sld [smem:$0x3FFE];
	_ =	sdelay $0x1  }
0x8a: {  	s1 =	srdreg.scid  }
0x8b: {  	s0 =	sand.u32 $0x1, s1  }
0x8c: {  	s16 =	sshll.u32 s0, $0xA;
	s2 =	sadd.s32 s3, s2  }
0x8d: {  	s2 =	sadd.s32 s2, s16  }
0x8e: {  	[smem:$0x3FC3] =	sst s2  }
0x8f: {  	_ = 	snop  }
0x90: {  	(tm) =	ssettm $0x1  }
0x91: {  	s17 =	sld [smem:$0x3FFB];
	_ =	sdelay $0x3  }
0x92: {  	_ =	strace s17  }
0x93: {  	s2 =	sld [smem:$0x3FFC];
	_ =	sdelay $0x3  }
0x94: {  	_ =	strace s2  }
0x95: {  	s2 =	sld [smem:$0x3FFD];
	_ =	sdelay $0x3  }
0x96: {  	_ =	strace s2  }
0x97: {  	_ =	strace $0x8FFFFFFF  }
0x98: {  	s18 =	sld [smem:$0x3FDB];
	_ =	sdelay $0x1  }
0x99: {  	s19 =	simm.s32 $_scs_section_size  }
0x9a: {  	s4 =	simm.s32 $_size__tile_overlayer_lowered;
	s5 =	simm.s32 $_tile_overlayer_lowered  }
0x9b: {  	s22 =	simm.s32 $0x1BFF;
	s21 =	sshll.u32 s5, $0x1;
	s2 =	sadd.s32 s19, s18  }
0x9c: {  	s6 =	simm.s32 $0x0;
	s20 =	sshll.u32 s4, $0x1;
	s4 =	sadd.s32 s21, s2  }
0x9d: {  	[timem:s6], [sflag:s22] =	dma.local [hbm:s4], s20  }
0x9e: {  	_ =	swait.ge [sflag:s22], s20  }
0x9f: {  	s3 =	ssub.s32 $0x0, s20;
	[sflag:s22] =	ssyncset.done $0x0  }
0xa0: {  	[sflag:s22] =	ssyncadd.s32 s3;
	_ =	sdelay $0x1  }
0xa1: {  	s23 =	simm.s32 $0x1B8B  }
0xa2: {  	_ =	swait.ge [sflag:s23], $0x1  }
0xa3: {  	[sflag:s23] =	ssyncset.done $0x0  }
0xa4: {  	s25 =	simm.s32 $0x1B8E;
	s24 =	sld [smem:$0x3FFE];
	[sflag:s23] =	ssyncadd.s32 $0xFFFFFFFF  }
0xa5: {  	s26 =	simm.s32 $execute0_lowered;
	[smem:$0x3FD2] =	sst s25  }
0xa6: {  	s4 =	sshll.u32 s26, $0x1;
	_ =	strace $0x80000046;
	[dreg:$0x1] =	wrdreg $0xFFFFFFFF  }
0xa7: {  	s28 =	simm.s32 $_size_execute0_lowered;
	s2 =	sadd.s32 s2, s4;
	[dreg:$0x0] =	wrdreg $0x0  }
0xa8: {  	s4 =	sshll.u32 s28, $0x1;
	[dreg:$0x2] =	wrdreg s2  }
0xa9: {  	[dreg:$0x3] =	wrdreg s4  }
0xaa: {  	[dreg:$0x4] =	wrdreg $0xC0  }
0xab: {  	_ =	task [dreg:s6], $0x5FFFF  }
0xac: {  	[dreg:$0x1] =	wrdreg $0xFFFFFFFF  }
0xad: {  	[dreg:$0x0] =	wrdreg $0x60  }
0xae: {  	[dreg:$0x2] =	wrdreg s24  }
0xaf: {  	[dreg:$0x3] =	wrdreg $0x52800  }
0xb0: {  	[dreg:$0x4] =	wrdreg $0x9  }
0xb1: {  	_ =	task.clear_ibuf [dreg:s6], $0x5FFFF;
	_ =	strace $0x90000046  }
0xb2: {  	s29 =	simm.s32 $0x9;
	_ =	strace $0x80000048  }
0xb3: {  	_ =	swait.ge [sflag:s29], $0x1  }
0xb4: {  	[sflag:s29] =	ssyncadd.s32 $0xFFFFFFFF  }
0xb5: {  	_ =	strace $0x90000048  }
0xb6: {  	_ =	sfence  }
0xb7: {  	s30 =	sld [smem:$0x0];
	_ =	sdelay $0x2  }
0xb8: {  	s31 =	sshll.u32 s1, $0xD;
	s1 =	sshrl.u32 s1, $0x2  }
0xb9: {  	s3 =	sand.u32 $0x4000, s31;
	s1 =	sadd.s32 s1, s30  }
0xba: {  	s0 =	sor.u32 s3, s0;
	s1 =	sshll.u32 s1, $0x11  }
0xbb: {  	s0 =	sor.u32 s1, s0  }
0xbc: {  	s0 =	sadd.s32 $0x8F2B, s0  }
0xbd: {  	[sflag:s0] =	ssyncadd.remote.s32 $0x1  }
0xbe: {  	_ =	sfence.sel $0xFFFF  }
0xbf: {  	[dreg:$0x0] =	wrdreg $0xFFFFFFFF;
	(pc) =	sbr.abs _section_cstart, $3  }
0xc0: {  	[dreg:$0x1] =	wrdreg $0xFFFFFFFF  }
0xc1: {  	_ =	task.clear_ibuf [dreg:s6], $0x2FFFF;
	_ =	strace $0x9FFFFFFF  }
0xc2: {  	(tm) =	ssettm $0x7FFFFFFF  }
0xc3: {  	_ =	shalt  }
tec
execute0_lowered:
.L_overlay_start_1:
0x0: {  	(tag) =	ssettag $0x1  }
0x1: {  	s4 =	rddreg [dreg:$0x0];
	s0 =	srdreg.scid  }
0x2: {  	s2 =	rddreg [dreg:$0x1];
	s1 =	stileid.u32  }
0x3: {  	s3 =	simm.s32 $0x0;
	s10 =	simm.s32 $0x1;
	s11 =	simm.s32 $0x2800  }
0x4: {  	s12 =	simm.s32 $0x80;
	s13 =	simm.s32 $0x100;
	s14 =	simm.s32 $0x0  }
0x5: {  	s5 =	sand.u32 $0x1, s0;
	s0 =	rddreg [dreg:$0x2];
	s7 =	smul.u32 $0x500, s1  }
0x6: {  	[smem:$0x7FF] =	sst s3;
	s30 =	smul.u32 $0xA00, s1;
	s6 =	sshll.u32 s5, $0x4  }
0x7: {  	s8 =	sshll.u32 s5, $0x7;
	_ =	strace $0x80000047;
	s6 =	sor.u32 s1, s6  }
0x8: {  	s5 =	ssub.s32 $0x2, s5;
	s7 =	sor.u32 s8, s7;
	s6 =	smul.u32 $0x500, s6  }
0x9: {  	s31 =	sshrl.u32 s5, $0x1;
	s8 =	sshrl.u32 s30, $0x2;
	s7 =	sshrl.u32 s7, $0x3  }
0xa: {  	s9 =	ssub.s32 s5, s31;
	s7 =	sadd.s32 s7, s4;
	s6 =	sadd.s32 s6, s4  }
0xb: {  	s4 =	sadd.s32 s8, s2;
	s7 =	sadd.s32 $0x15C00, s7;
	s8 =	smax.u32 s9, $0x1  }
0xc: {  	v0 =	vimm.f32 $0.0e+00;
	s9 =	simm.s32 $0x5000;
	s5 =	sadd.s32 $0xBC00, s6;
	s6 =	sadd.s32 $0x1C00, s6  }
.LBB2_1:
0xd: {  	[tilespmem:$0x5000] =	vst v0  }
0xe: {  	[tilespmem:$0x5010] =	vst v0  }
0xf: {  	[tilespmem:$0x5020] =	vst v0  }
0x10: {  	[tilespmem:$0x5030] =	vst v0  }
0x11: {  	[tilespmem:$0x5040] =	vst v0  }
0x12: {  	[tilespmem:$0x5050] =	vst v0  }
0x13: {  	[tilespmem:$0x5060] =	vst v0  }
0x14: {  	[tilespmem:$0x5070] =	vst v0  }
0x15: {  	[tilespmem:$0x5080] =	vst v0  }
0x16: {  	[tilespmem:$0x5090] =	vst v0  }
0x17: {  	[tilespmem:$0x50A0] =	vst v0  }
0x18: {  	[tilespmem:$0x50B0] =	vst v0  }
0x19: {  	[tilespmem:$0x50C0] =	vst v0  }
0x1a: {  	[tilespmem:$0x50D0] =	vst v0  }
0x1b: {  	[tilespmem:$0x50E0] =	vst v0  }
0x1c: {  	[tilespmem:$0x50F0] =	vst v0  }
0x1d: {  	[tilespmem:$0x5100] =	vst v0  }
0x1e: {  	[tilespmem:$0x5110] =	vst v0  }
0x1f: {  	[tilespmem:$0x5120] =	vst v0  }
0x20: {  	[tilespmem:$0x5130] =	vst v0  }
0x21: {  	[tilespmem:$0x5140] =	vst v0  }
0x22: {  	[tilespmem:$0x5150] =	vst v0  }
0x23: {  	[tilespmem:$0x5160] =	vst v0  }
0x24: {  	[tilespmem:$0x5170] =	vst v0  }
0x25: {  	[tilespmem:$0x5180] =	vst v0  }
0x26: {  	[tilespmem:$0x5190] =	vst v0  }
0x27: {  	[tilespmem:$0x51A0] =	vst v0  }
0x28: {  	[tilespmem:$0x51B0] =	vst v0  }
0x29: {  	[tilespmem:$0x51C0] =	vst v0  }
0x2a: {  	[tilespmem:$0x51D0] =	vst v0  }
0x2b: {  	[tilespmem:$0x51E0] =	vst v0  }
0x2c: {  	[tilespmem:$0x51F0] =	vst v0  }
0x2d: {  	[tilespmem:$0x5200] =	vst v0  }
0x2e: {  	[tilespmem:$0x5210] =	vst v0  }
0x2f: {  	[tilespmem:$0x5220] =	vst v0  }
0x30: {  	[tilespmem:$0x5230] =	vst v0  }
0x31: {  	[tilespmem:$0x5240] =	vst v0  }
0x32: {  	[tilespmem:$0x5250] =	vst v0  }
0x33: {  	[tilespmem:$0x5260] =	vst v0  }
0x34: {  	[tilespmem:$0x5270] =	vst v0  }
0x35: {  	[spmem:s4] =	stream.linear.scatter [tilespmem:s9], [sflag:$0x1], $0x280, $0x38;
	[tilespmem:$0x5500] =	vst v63  }
0x36: {  	_ =	swait.ge [sflag:s10], $0x280  }
0x37: {  	[sflag:s10] =	ssyncset.done $0x0  }
0x38: {  	[sflag:s10] =	ssyncadd.s32 $0xFFFFFD80  }
0x39: {  	[tilespmem:s9], [sflag:$0x1] =	stream.linear.gather [spmem:s4], $0x280, $0x38;
	[tilespmem:$0x5500] =	vst v63  }
0x3a: {  	_ =	swait.ge [sflag:s10], $0x280  }
0x3b: {  	[sflag:s10] =	ssyncset.done $0x0  }
0x3c: {  	[sflag:s10] =	ssyncadd.s32 $0xFFFFFD80  }
0x3d: {  	[bflag:$0x0] =	sbarrier.arrive $0xFFFF  }
0x3e: {  	[tilespmem:s3], [sflag:$0x1] =	stream.linear.gather [hbm4b:s5+s3], $0x2780, $0x38;
	[tilespmem:$0x5500] =	vst v63  }
0x3f: {  	_ =	swait.ge [sflag:s10], $0x2780  }
0x40: {  	[sflag:s10] =	ssyncset.done $0x0  }
0x41: {  	[sflag:s10] =	ssyncadd.s32 $0xFFFFD880  }
0x42: {  	[tilespmem:s11], [sflag:$0x1] =	stream.linear.gather [hbm4b:s6+s3], $0x2780, $0x38;
	[tilespmem:$0x5500] =	vst v63  }
0x43: {  	_ =	swait.ge [sflag:s10], $0x2780  }
0x44: {  	[sflag:s10] =	ssyncset.done $0x0  }
0x45: {  	s15 =	simm.s32 $0x0;
	s16 =	simm.s32 $0x2800;
	[sflag:s10] =	ssyncadd.s32 $0xFFFFD880  }
0x46: {  	[spmem:s2] =	stream.indirect.scatter.add.f32 [tilespmem:s16], [sflag:$0x1], $0x1, s15, s12, $0xb8;
	[tilespmem:$0x5500] =	vst v63  }
0x47: {  	s15 =	simm.s32 $0x200;
	_ =	swait.ge [sflag:s10], $0x80  }
.LBB2_2:
0x48: {  	s16 =	sshra.s32 s15, $0x2;
	[sflag:s10] =	ssyncset.done $0x0;
	p0 =	sne.s32 s15, $0x9C00  }
.Ltmp0:
0x49: {  	s17 =	sadd.s32 $0x2800, s16;
	[sflag:s10] =	ssyncadd.s32 $0xFFFFFF80;
	(pc) =	sbr.rel @p0 .LBB2_2-.Ltmp0, $3  }
0x4a: {  	[spmem:s2] =	stream.indirect.scatter.add.f32 [tilespmem:s17], [sflag:$0x1], $0x1, s16, s12, $0xb8;
	[tilespmem:$0x5500] =	vst v63  }
0x4b: {  	s15 =	sadd.s32 $0x200, s15;
	_ =	sdelay $0x1  }
0x4c: {  	_ =	swait.ge [sflag:s10], $0x80  }
0x4d: {  	[sflag:s10] =	ssyncset.done $0x0  }
0x4e: {  	[sflag:s10] =	ssyncadd.s32 $0xFFFFFF80  }
0x4f: {  	[bflag:$0x0] =	sbarrier.arrive $0xFFFF  }
0x50: {  	[tilespmem:s9], [sflag:$0x1] =	stream.linear.gather [spmem:s4], $0x280, $0x38;
	[tilespmem:$0x5500] =	vst v63  }
0x51: {  	s14 =	sadd.s32 $0x1, s14;
	_ =	swait.ge [sflag:s10], $0x280  }
0x52: {  	p0 =	sne.s32 s14, s8;
	[sflag:s10] =	ssyncset.done $0x0  }
.Ltmp1:
0x53: {  	[sflag:s10] =	ssyncadd.s32 $0xFFFFFD80;
	(pc) =	sbr.rel @p0 .LBB2_1-.Ltmp1, $4  }
0x54: {  	[hbm4b:s7+s12] =	stream.strided.scatter [tilespmem:s9], [sflag:$0x1], $0x280, s13, s12, $0x38;
	[tilespmem:$0x5500] =	vst v63  }
0x55: {  	_ =	swait.ge [sflag:s10], $0x280  }
0x56: {  	[sflag:s10] =	ssyncset.done $0x0  }
0x57: {  	[sflag:s10] =	ssyncadd.s32 $0xFFFFFD80  }
0x58: {  	_ =	sfence.sel $0x180000  }
0x59: {  	[bflag:$0x0] =	sbarrier.arrive $0xFFFF  }
0x5a: {  	p0 =	sne.s32 s1, $0x0;
	_ =	strace $0x90000047  }
0x5b: {  	s0 =	sadd.s32 @!p0 $0x100000, s0;
	[bflag:$0x2] =	sbarrier.arrive $0xFFFF  }
0x5c: {  	[sflag:s0] =	ssyncadd.tile.s32 @!p0 $0x1;
	_ =	shalt  }
.Lfunc_end2:
_tile_overlayer_lowered:
.L_overlay_start_2:
0x5d: {  	(tag) =	ssettag $0x2  }
0x5e: {  	s0 =	rddreg [dreg:$0x0];
	s2 =	stileid.u32  }
0x5f: {  	s1 =	rddreg [dreg:$0x1];
	p0 =	sne.s32 s2, $0x0  }
0x60: {  	s3 =	rddreg [dreg:$0x2];
	[bflag:$0x3] =	sbarrier.arrive $0xFFFF;
	s2 =	simm.s32 @!p0 $0x1C01  }
0x61: {  	[timem:s3], [sflag:s2] =	dma.local @!p0 [hbm:s0], s1  }
0x62: {  	s0 =	simm.s32 @!p0 $0x1  }
0x63: {  	_ =	swait.ge @!p0 [sflag:s0], s1  }
0x64: {  	s1 =	ssub.s32 @!p0 $0x0, s1;
	[sflag:s0] =	ssyncset.done @!p0 $0x0  }
0x65: {  	[sflag:s0] =	ssyncadd.s32 @!p0 s1  }
0x66: {  	[bflag:$0x3] =	sbarrier.arrive $0xFFFF  }
0x67: {  	_ =	shalt  }

// kernel: kernel.9.cloned.1.call-start
scs
__scs_entry_jumppad:
0x0: {  	(pc) =	sbr.rel $0x88, $3  }
0x1: {  	(tag) =	ssettag $0x0;
	lr =	simm.s32 $0x1  }
0x2: {  	[smem:$0x3F9C] =	sst lr;
	_ =	strace $0xD0000000  }
0x3: {  	_ = 	snop  }
0x4: {  	_ = 	snop  }
0x5: {  	_ = 	snop  }
0x6: {  	_ = 	snop  }
0x7: {  	_ = 	snop  }
__scs_overlays_trampoline_lowered:
0x8: {  	[smem:$0x3FAB] =	sst s0  }
0x9: {  	[smem:$0x3FAC] =	sst s1  }
0xa: {  	[smem:$0x3FAD] =	sst s2  }
0xb: {  	[smem:$0x3FAE] =	sst s3  }
0xc: {  	[smem:$0x3FAF] =	sst s4  }
0xd: {  	[smem:$0x3FB0] =	sst s5  }
0xe: {  	[smem:$0x3FB1] =	sst s6  }
0xf: {  	[smem:$0x3FB2] =	sst s7  }
0x10: {  	[smem:$0x3FB3] =	sst s8  }
0x11: {  	[smem:$0x3FB4] =	sst s9;
	s0 =	simm.s32 @!p0 $0x0  }
0x12: {  	s1 =	sld [smem:$0x3F9A];
	s0 =	simm.s32 @p0 $0x1  }
0x13: {  	[smem:$0x3FB5] =	sst s0;
	s0 =	simm.s32 @!p1 $0x0  }
0x14: {  	s2 =	sld [smem:$0x3F99];
	s0 =	simm.s32 @p1 $0x1  }
0x15: {  	[smem:$0x3FB6] =	sst s0;
	s0 =	simm.s32 @!p2 $0x0  }
0x16: {  	s3 =	sld [smem:$0x3FDB];
	s0 =	simm.s32 @p2 $0x1  }
0x17: {  	s4 =	simm.s32 $0x1BF5;
	[smem:$0x3FB8] =	sst s0  }
0x18: {  	s0 =	sld [smem:$0x3F9B];
	_ =	swait.ge [sflag:s4], $0x0  }
0x19: {  	s7 =	sld [smem:$0x3F9C]  }
0x1a: {  	s8 =	sadd.s32 $0xFFFFE003, lr  }
0x1b: {  	s9 =	sadd.s32 $0xFFFFFEF7, lr;
	s5 =	simm.s32 $0xFFFFFFFF;
	p2 =	slt.u32 s8, $0xFFFFF086  }
0x1c: {  	p1 =	slt.u32 s9, $0xF7A;
	s5 =	simm.s32 @!p2 $0x0  }
0x1d: {  	s5 =	simm.s32 @p1 $0x1;
	p0 =	seq.s32 s7, s2  }
0x1e: {  	s7 =	smul.u32 @!p0 $0xF7A, s2;
	p2 =	seq.s32 @!p0 s5, $0x0  }
0x1f: {  	s9 =	smul.u32 $0xF7A, s1;
	s8 =	simm.s32 @!p0 $0x1BF5;
	p2 =	por !p2, p0  }
0x20: {  	[sflag:s8] =	ssyncset.s32 @!p0 $0xFFFFF086;
	s6 =	sadd.s32 @!p0 s3, s7;
	s7 =	simm.s32 @!p0 $0x108  }
0x21: {  	s3 =	sadd.s32 s3, s9;
	s6 =	sadd.s32 @!p0 $0x88, s6;
	s7 =	simm.s32 @p2 $0x1082  }
0x22: {  	[simem:s7], [sflag:s8] =	dma.local @!p0 [hbm:s6], $0xF7A  }
0x23: {  	s9 =	sor.u32 $0xD0000000, s2;
	s6 =	simm.s32 $0x108;
	_ =	swait.ge @!p0 [sflag:s8], $0x0  }
0x24: {  	s3 =	sadd.s32 $0x88, s3;
	s6 =	simm.s32 @!p1 $0x1082;
	[sflag:s4] =	ssyncset.s32 $0xFFFFF086  }
0x25: {  	[simem:s6], [sflag:s4] =	dma.local [hbm:s3], $0xF7A  }
0x26: {  	[smem:$0x3F9C] =	sst s1;
	(tag) =	ssettag s2;
	_ =	strace s9  }
0x27: {  	s1 =	sld [smem:$0x3FAC]  }
0x28: {  	s2 =	sld [smem:$0x3FAD]  }
0x29: {  	s4 =	sld [smem:$0x3FAF]  }
0x2a: {  	p0 =	seq.s32 s5, $0x0;
	s5 =	sld [smem:$0x3FB0]  }
0x2b: {  	s6 =	sld [smem:$0x3FB1]  }
0x2c: {  	s7 =	sld [smem:$0x3FB2]  }
0x2d: {  	s3 =	simm.s32 $0x108;
	s8 =	sld [smem:$0x3FB3]  }
0x2e: {  	s3 =	simm.s32 @!p0 $0x1082;
	s9 =	sld [smem:$0x3FB4]  }
0x2f: {  	lr =	sadd.s32 s0, s3;
	s0 =	sld [smem:$0x3FAB]  }
0x30: {  	s3 =	sld [smem:$0x3FAE]  }
0x31: {  	[smem:$0x3FB7] =	sst s10  }
0x32: {  	s10 =	sld [smem:$0x3FB5];
	_ =	sdelay $0x3  }
0x33: {  	p0 =	seq.s32 s10, $0x1;
	s10 =	sld [smem:$0x3FB7];
	_ =	sdelay $0x3  }
0x34: {  	[smem:$0x3FB7] =	sst s10  }
0x35: {  	s10 =	sld [smem:$0x3FB6];
	_ =	sdelay $0x3  }
0x36: {  	p1 =	seq.s32 s10, $0x1;
	s10 =	sld [smem:$0x3FB7];
	_ =	sdelay $0x3  }
0x37: {  	[smem:$0x3FB7] =	sst s10  }
0x38: {  	s10 =	sld [smem:$0x3FB8]  }
0x39: {  	_ = 	snop;
	(pc) =	sbr.ind lr, $3  }
0x3a: {  	_ = 	snop  }
0x3b: {  	_ = 	snop  }
0x3c: {  	p2 =	seq.s32 s10, $0x1;
	s10 =	sld [smem:$0x3FB7]  }
0x3d: {  	_ =	shalt  }
0x3e: {  	_ =	shalt  }
0x3f: {  	_ =	shalt  }
0x40: {  	_ =	shalt  }
0x41: {  	_ =	shalt  }
0x42: {  	_ =	shalt  }
0x43: {  	_ =	shalt  }
0x44: {  	_ =	shalt  }
0x45: {  	_ =	shalt  }
0x46: {  	_ =	shalt  }
0x47: {  	_ =	shalt  }
0x48: {  	_ =	shalt  }
0x49: {  	_ =	shalt  }
0x4a: {  	_ =	shalt  }
0x4b: {  	_ =	shalt  }
0x4c: {  	_ =	shalt  }
0x4d: {  	_ =	shalt  }
0x4e: {  	_ =	shalt  }
0x4f: {  	_ =	shalt  }
0x50: {  	_ =	shalt  }
0x51: {  	_ =	shalt  }
0x52: {  	_ =	shalt  }
0x53: {  	_ =	shalt  }
0x54: {  	_ =	shalt  }
0x55: {  	_ =	shalt  }
0x56: {  	_ =	shalt  }
0x57: {  	_ =	shalt  }
0x58: {  	_ =	shalt  }
0x59: {  	_ =	shalt  }
0x5a: {  	_ =	shalt  }
0x5b: {  	_ =	shalt  }
0x5c: {  	_ =	shalt  }
0x5d: {  	_ =	shalt  }
0x5e: {  	_ =	shalt  }
0x5f: {  	_ =	shalt  }
0x60: {  	_ =	shalt  }
0x61: {  	_ =	shalt  }
0x62: {  	_ =	shalt  }
0x63: {  	_ =	shalt  }
0x64: {  	_ =	shalt  }
0x65: {  	_ =	shalt  }
0x66: {  	_ =	shalt  }
0x67: {  	_ =	shalt  }
0x68: {  	_ =	shalt  }
0x69: {  	_ =	shalt  }
0x6a: {  	_ =	shalt  }
0x6b: {  	_ =	shalt  }
0x6c: {  	_ =	shalt  }
0x6d: {  	_ =	shalt  }
0x6e: {  	_ =	shalt  }
0x6f: {  	_ =	shalt  }
0x70: {  	_ =	shalt  }
0x71: {  	_ =	shalt  }
0x72: {  	_ =	shalt  }
0x73: {  	_ =	shalt  }
0x74: {  	_ =	shalt  }
0x75: {  	_ =	shalt  }
0x76: {  	_ =	shalt  }
0x77: {  	_ =	shalt  }
0x78: {  	_ =	shalt  }
0x79: {  	_ =	shalt  }
0x7a: {  	_ =	shalt  }
0x7b: {  	_ =	shalt  }
0x7c: {  	_ =	shalt  }
0x7d: {  	_ =	shalt  }
0x7e: {  	_ =	shalt  }
0x7f: {  	_ =	shalt  }
0x80: {  	_ =	shalt  }
0x81: {  	_ =	shalt  }
0x82: {  	_ =	shalt  }
0x83: {  	_ =	shalt  }
0x84: {  	_ =	shalt  }
0x85: {  	_ =	shalt  }
0x86: {  	_ =	shalt  }
0x87: {  	_ =	shalt  }
.Lfunc_end0:
.L_simem_size_0:
called_computation.1_lowered:
.L_overlay_start_0:
0x88: {  	s2 =	sld [smem:$0x3FD9]  }
0x89: {  	s3 =	sld [smem:$0x3FFE];
	_ =	sdelay $0x1  }
0x8a: {  	s1 =	srdreg.scid  }
0x8b: {  	s0 =	sand.u32 $0x1, s1  }
0x8c: {  	s17 =	sshll.u32 s0, $0xA;
	s2 =	sadd.s32 s3, s2  }
0x8d: {  	s2 =	sadd.s32 s2, s17  }
0x8e: {  	[smem:$0x3FC3] =	sst s2  }
0x8f: {  	_ = 	snop  }
0x90: {  	s2 =	sld [smem:$0x3FD0];
	(tm) =	ssettm $0x1  }
0x91: {  	s18 =	sld [smem:$0x3FFB];
	_ =	sdelay $0x3  }
0x92: {  	_ =	strace s18  }
0x93: {  	s3 =	sld [smem:$0x3FFC];
	_ =	sdelay $0x3  }
0x94: {  	_ =	strace s3  }
0x95: {  	s3 =	sld [smem:$0x3FFD];
	_ =	sdelay $0x3  }
0x96: {  	_ =	strace s3  }
0x97: {  	_ =	strace $0x8FFFFFFF  }
0x98: {  	s19 =	sld [smem:$0x3FDB];
	_ =	sdelay $0x1  }
0x99: {  	s4 =	simm.s32 $_scs_section_size  }
0x9a: {  	s5 =	simm.s32 $_size__tile_overlayer_lowered;
	s6 =	simm.s32 $_tile_overlayer_lowered  }
0x9b: {  	s22 =	simm.s32 $0x1BFF;
	s21 =	sshll.u32 s6, $0x1;
	s3 =	sadd.s32 s4, s19  }
0x9c: {  	s7 =	simm.s32 $0x0;
	s20 =	sshll.u32 s5, $0x1;
	s5 =	sadd.s32 s21, s3  }
0x9d: {  	[timem:s7], [sflag:s22] =	dma.local [hbm:s5], s20  }
0x9e: {  	_ =	swait.ge [sflag:s22], s20  }
0x9f: {  	s4 =	ssub.s32 $0x0, s20;
	[sflag:s22] =	ssyncset.done $0x0  }
0xa0: {  	[sflag:s22] =	ssyncadd.s32 s4;
	_ =	sdelay $0x1  }
0xa1: {  	s23 =	simm.s32 $0x1B8B  }
0xa2: {  	_ =	swait.ge [sflag:s23], $0x1  }
0xa3: {  	[sflag:s23] =	ssyncset.done $0x0  }
0xa4: {  	s25 =	simm.s32 $0x1B8E;
	s24 =	sld [smem:$0x3FFE];
	[sflag:s23] =	ssyncadd.s32 $0xFFFFFFFF  }
0xa5: {  	s26 =	simm.s32 $execute0_lowered;
	[smem:$0x3FD2] =	sst s25  }
0xa6: {  	s5 =	sshll.u32 s26, $0x1;
	_ =	strace $0x80000049;
	[dreg:$0x1] =	wrdreg $0xFFFFFFFF  }
0xa7: {  	s28 =	simm.s32 $_size_execute0_lowered;
	s3 =	sadd.s32 s3, s5;
	[dreg:$0x0] =	wrdreg $0x0  }
0xa8: {  	s5 =	sshll.u32 s28, $0x1;
	[dreg:$0x2] =	wrdreg s3  }
0xa9: {  	[dreg:$0x3] =	wrdreg s5  }
0xaa: {  	[dreg:$0x4] =	wrdreg $0xC0  }
0xab: {  	_ =	task [dreg:s7], $0x5FFFF  }
0xac: {  	[dreg:$0x1] =	wrdreg $0xFFFFFFFF  }
0xad: {  	[dreg:$0x0] =	wrdreg $0x60  }
0xae: {  	[dreg:$0x2] =	wrdreg s2  }
0xaf: {  	[dreg:$0x3] =	wrdreg s24  }
0xb0: {  	[dreg:$0x4] =	wrdreg $0xB8000  }
0xb1: {  	[dreg:$0x5] =	wrdreg $0x9  }
0xb2: {  	_ =	task.clear_ibuf [dreg:s7], $0x6FFFF;
	_ =	strace $0x90000049  }
0xb3: {  	s29 =	simm.s32 $0x9;
	_ =	strace $0x8000004B  }
0xb4: {  	_ =	swait.ge [sflag:s29], $0x1  }
0xb5: {  	[sflag:s29] =	ssyncadd.s32 $0xFFFFFFFF  }
0xb6: {  	_ =	strace $0x9000004B  }
0xb7: {  	_ =	sfence  }
0xb8: {  	s30 =	sld [smem:$0x0];
	_ =	sdelay $0x2  }
0xb9: {  	s31 =	sshll.u32 s1, $0xD;
	s1 =	sshrl.u32 s1, $0x2  }
0xba: {  	s3 =	sand.u32 $0x4000, s31;
	s1 =	sadd.s32 s1, s30  }
0xbb: {  	s0 =	sor.u32 s3, s0;
	s1 =	sshll.u32 s1, $0x11  }
0xbc: {  	s0 =	sor.u32 s1, s0  }
0xbd: {  	s0 =	sadd.s32 $0x8F2B, s0  }
0xbe: {  	[sflag:s0] =	ssyncadd.remote.s32 $0x1  }
0xbf: {  	_ =	sfence.sel $0xFFFF  }
0xc0: {  	[dreg:$0x0] =	wrdreg $0xFFFFFFFF;
	(pc) =	sbr.abs _section_cstart, $3  }
0xc1: {  	[dreg:$0x1] =	wrdreg $0xFFFFFFFF  }
0xc2: {  	_ =	task.clear_ibuf [dreg:s7], $0x2FFFF;
	_ =	strace $0x9FFFFFFF  }
0xc3: {  	(tm) =	ssettm $0x7FFFFFFF  }
tec
execute0_lowered:
.L_overlay_start_1:
0x0: {  	(tag) =	ssettag $0x1  }
0x1: {  	s8 =	rddreg [dreg:$0x0]  }
0x2: {  	s3 =	rddreg [dreg:$0x1]  }
0x3: {  	s0 =	srdreg.scid;
	s7 =	rddreg [dreg:$0x2]  }
0x4: {  	s2 =	simm.s32 $0x0;
	s5 =	sand.u32 $0x1, s0;
	s0 =	stileid.u32  }
0x5: {  	s20 =	simm.s32 $0x5000;
	s21 =	simm.s32 $0x0;
	s29 =	smul.u32 $0x50000, s0  }
0x6: {  	[smem:$0x7FF] =	sst s2;
	s15 =	sadd.s32 $0x3DC00, s3;
	s10 =	smul.u32 $0x14000, s0  }
0x7: {  	s1 =	sshll.u32 s5, $0x4;
	s6 =	ssub.s32 $0x2, s5;
	s18 =	smul.u32 $0x140000, s5  }
0x8: {  	s4 =	sor.u32 s0, s1;
	s1 =	rddreg [dreg:$0x3];
	s30 =	sshrl.u32 s6, $0x1  }
0x9: {  	_ =	strace $0x8000004A;
	s9 =	smul.u32 $0x500, s4;
	s16 =	ssub.s32 s6, s30  }
0xa: {  	s31 =	sshrl.u32 s29, $0x2;
	s12 =	sadd.s32 $0x4000, s10;
	s13 =	sadd.s32 $0x8000, s10  }
0xb: {  	s14 =	sadd.s32 $0xC000, s10;
	s17 =	sadd.s32 $0x10000, s10;
	s10 =	sadd.s32 s10, s18  }
0xc: {  	s4 =	sadd.s32 s12, s7;
	s5 =	sadd.s32 s13, s7;
	s6 =	sadd.s32 s14, s7  }
0xd: {  	s12 =	sadd.s32 s18, s12;
	s19 =	sshrl.u32 s10, $0x3;
	s13 =	sadd.s32 s18, s13  }
0xe: {  	s14 =	sadd.s32 s18, s14;
	s16 =	smax.u32 s16, $0x1;
	s11 =	sadd.s32 s9, s3  }
0xf: {  	s3 =	sadd.s32 s31, s7;
	s7 =	sadd.s32 s17, s7;
	s8 =	sadd.s32 s8, s9  }
0x10: {  	s12 =	sshrl.u32 s12, $0x3;
	s17 =	sadd.s32 s18, s17;
	s13 =	sshrl.u32 s13, $0x3  }
0x11: {  	s14 =	sshrl.u32 s14, $0x3;
	s18 =	simm.s32 $0x1;
	s9 =	sadd.s32 $0xBC00, s11  }
0x12: {  	s10 =	sadd.s32 $0x1C00, s11;
	s11 =	sadd.s32 s15, s19;
	s12 =	sadd.s32 s15, s12  }
0x13: {  	s17 =	sshrl.u32 s17, $0x3;
	s13 =	sadd.s32 s15, s13;
	s14 =	sadd.s32 s15, s14  }
0x14: {  	v0 =	vimm.f32 $0.0e+00;
	s19 =	simm.s32 $0x2800;
	s15 =	sadd.s32 s15, s17;
	s17 =	simm.s32 $0x7800  }
.LBB2_1:
0x15: {  	s22 =	simm.s32 $0x0;
	s23 =	simm.s32 $0x200  }
.LBB2_2:
0x16: {  	p0 =	sne.s32 s23, $0xFE00;
	[tilespmem:s22+$0x7870] =	vst v0  }
0x17: {  	[tilespmem:s22+$0x7800] =	vst v0  }
0x18: {  	[tilespmem:s22+$0x7810] =	vst v0  }
.Ltmp0:
0x19: {  	[tilespmem:s22+$0x7820] =	vst v0;
	(pc) =	sbr.rel @p0 .LBB2_2-.Ltmp0, $4  }
0x1a: {  	[tilespmem:s22+$0x7830] =	vst v0  }
0x1b: {  	[tilespmem:s22+$0x7840] =	vst v0  }
0x1c: {  	[tilespmem:s22+$0x7850] =	vst v0  }
0x1d: {  	[tilespmem:s22+$0x7860] =	vst v0;
	s22 =	sshra.s32 s23, $0x2;
	s23 =	sadd.s32 $0x200, s23  }
0x1e: {  	[tilespmem:s22+$0x7870] =	vst v0  }
0x1f: {  	[tilespmem:s22+$0x7800] =	vst v0  }
0x20: {  	[tilespmem:s22+$0x7810] =	vst v0  }
0x21: {  	[tilespmem:s22+$0x7820] =	vst v0  }
0x22: {  	[tilespmem:s22+$0x7830] =	vst v0  }
0x23: {  	[tilespmem:s22+$0x7840] =	vst v0  }
0x24: {  	[tilespmem:s22+$0x7850] =	vst v0  }
0x25: {  	[tilespmem:s22+$0x7860] =	vst v0  }
0x26: {  	[spmem:s3] =	stream.linear.scatter [tilespmem:s17], [sflag:$0x1], $0x4000, $0x38;
	[tilespmem:$0x1F800] =	vst v63  }
0x27: {  	_ =	swait.ge [sflag:s18], $0x4000  }
0x28: {  	[sflag:s18] =	ssyncset.done $0x0  }
0x29: {  	[sflag:s18] =	ssyncadd.s32 $0xFFFFC000  }
0x2a: {  	[spmem:s4] =	stream.linear.scatter [tilespmem:s17], [sflag:$0x1], $0x4000, $0x38;
	[tilespmem:$0x1F800] =	vst v63  }
0x2b: {  	_ =	swait.ge [sflag:s18], $0x4000  }
0x2c: {  	[sflag:s18] =	ssyncset.done $0x0  }
0x2d: {  	[sflag:s18] =	ssyncadd.s32 $0xFFFFC000  }
0x2e: {  	[spmem:s5] =	stream.linear.scatter [tilespmem:s17], [sflag:$0x1], $0x4000, $0x38;
	[tilespmem:$0x1F800] =	vst v63  }
0x2f: {  	_ =	swait.ge [sflag:s18], $0x4000  }
0x30: {  	[sflag:s18] =	ssyncset.done $0x0  }
0x31: {  	[sflag:s18] =	ssyncadd.s32 $0xFFFFC000  }
0x32: {  	[spmem:s6] =	stream.linear.scatter [tilespmem:s17], [sflag:$0x1], $0x4000, $0x38;
	[tilespmem:$0x1F800] =	vst v63  }
0x33: {  	_ =	swait.ge [sflag:s18], $0x4000  }
0x34: {  	[sflag:s18] =	ssyncset.done $0x0  }
0x35: {  	[sflag:s18] =	ssyncadd.s32 $0xFFFFC000  }
0x36: {  	[spmem:s7] =	stream.linear.scatter [tilespmem:s17], [sflag:$0x1], $0x4000, $0x38;
	[tilespmem:$0x1F800] =	vst v63  }
0x37: {  	_ =	swait.ge [sflag:s18], $0x4000  }
0x38: {  	[sflag:s18] =	ssyncset.done $0x0  }
0x39: {  	[sflag:s18] =	ssyncadd.s32 $0xFFFFC000  }
0x3a: {  	[tilespmem:s17], [sflag:$0x1] =	stream.linear.gather [spmem:s3], $0x4000, $0x38;
	[tilespmem:$0x1F800] =	vst v63  }
0x3b: {  	_ =	swait.ge [sflag:s18], $0x4000  }
0x3c: {  	[sflag:s18] =	ssyncset.done $0x0  }
0x3d: {  	[sflag:s18] =	ssyncadd.s32 $0xFFFFC000  }
0x3e: {  	[bflag:$0x0] =	sbarrier.arrive $0xFFFF  }
0x3f: {  	[tilespmem:s2], [sflag:$0x1] =	stream.linear.gather [hbm4b:s8+s2], $0x2780, $0x38;
	[tilespmem:$0x1F800] =	vst v63  }
0x40: {  	_ =	swait.ge [sflag:s18], $0x2780  }
0x41: {  	[sflag:s18] =	ssyncset.done $0x0  }
0x42: {  	[sflag:s18] =	ssyncadd.s32 $0xFFFFD880  }
0x43: {  	[tilespmem:s19], [sflag:$0x1] =	stream.linear.gather [hbm4b:s9+s2], $0x2780, $0x38;
	[tilespmem:$0x1F800] =	vst v63  }
0x44: {  	_ =	swait.ge [sflag:s18], $0x2780  }
0x45: {  	[sflag:s18] =	ssyncset.done $0x0  }
0x46: {  	[sflag:s18] =	ssyncadd.s32 $0xFFFFD880  }
0x47: {  	[tilespmem:s20], [sflag:$0x1] =	stream.linear.gather [hbm4b:s10+s2], $0x2780, $0x38;
	[tilespmem:$0x1F800] =	vst v63  }
0x48: {  	_ =	swait.ge [sflag:s18], $0x2780  }
0x49: {  	[sflag:s18] =	ssyncset.done $0x0  }
0x4a: {  	[sflag:s18] =	ssyncadd.s32 $0xFFFFD880  }
0x4b: {  	[bflag:$0x0] =	sbarrier.arrive $0xFFFF  }
0x4c: {  	[tilespmem:s17], [sflag:$0x1] =	stream.linear.gather [spmem:s3], $0x4000, $0x38;
	[tilespmem:$0x1F800] =	vst v63  }
0x4d: {  	_ =	swait.ge [sflag:s18], $0x4000  }
0x4e: {  	[sflag:s18] =	ssyncset.done $0x0  }
0x4f: {  	[sflag:s18] =	ssyncadd.s32 $0xFFFFC000  }
0x50: {  	[hbm4b:s11+s2] =	stream.linear.scatter [tilespmem:s17], [sflag:$0x1], $0x4000, $0x38;
	[tilespmem:$0x1F800] =	vst v63  }
0x51: {  	_ =	swait.ge [sflag:s18], $0x4000  }
0x52: {  	[sflag:s18] =	ssyncset.done $0x0  }
0x53: {  	[sflag:s18] =	ssyncadd.s32 $0xFFFFC000  }
0x54: {  	[tilespmem:s17], [sflag:$0x1] =	stream.linear.gather [spmem:s4], $0x4000, $0x38;
	[tilespmem:$0x1F800] =	vst v63  }
0x55: {  	_ =	swait.ge [sflag:s18], $0x4000  }
0x56: {  	[sflag:s18] =	ssyncset.done $0x0  }
0x57: {  	[sflag:s18] =	ssyncadd.s32 $0xFFFFC000  }
0x58: {  	[hbm4b:s12+s2] =	stream.linear.scatter [tilespmem:s17], [sflag:$0x1], $0x4000, $0x38;
	[tilespmem:$0x1F800] =	vst v63  }
0x59: {  	_ =	swait.ge [sflag:s18], $0x4000  }
0x5a: {  	[sflag:s18] =	ssyncset.done $0x0  }
0x5b: {  	[sflag:s18] =	ssyncadd.s32 $0xFFFFC000  }
0x5c: {  	[tilespmem:s17], [sflag:$0x1] =	stream.linear.gather [spmem:s5], $0x4000, $0x38;
	[tilespmem:$0x1F800] =	vst v63  }
0x5d: {  	_ =	swait.ge [sflag:s18], $0x4000  }
0x5e: {  	[sflag:s18] =	ssyncset.done $0x0  }
0x5f: {  	[sflag:s18] =	ssyncadd.s32 $0xFFFFC000  }
0x60: {  	[hbm4b:s13+s2] =	stream.linear.scatter [tilespmem:s17], [sflag:$0x1], $0x4000, $0x38;
	[tilespmem:$0x1F800] =	vst v63  }
0x61: {  	_ =	swait.ge [sflag:s18], $0x4000  }
0x62: {  	[sflag:s18] =	ssyncset.done $0x0  }
0x63: {  	[sflag:s18] =	ssyncadd.s32 $0xFFFFC000  }
0x64: {  	[tilespmem:s17], [sflag:$0x1] =	stream.linear.gather [spmem:s6], $0x4000, $0x38;
	[tilespmem:$0x1F800] =	vst v63  }
0x65: {  	_ =	swait.ge [sflag:s18], $0x4000  }
0x66: {  	[sflag:s18] =	ssyncset.done $0x0  }
0x67: {  	[sflag:s18] =	ssyncadd.s32 $0xFFFFC000  }
0x68: {  	[hbm4b:s14+s2] =	stream.linear.scatter [tilespmem:s17], [sflag:$0x1], $0x4000, $0x38;
	[tilespmem:$0x1F800] =	vst v63  }
0x69: {  	_ =	swait.ge [sflag:s18], $0x4000  }
0x6a: {  	[sflag:s18] =	ssyncset.done $0x0  }
0x6b: {  	[sflag:s18] =	ssyncadd.s32 $0xFFFFC000  }
0x6c: {  	[tilespmem:s17], [sflag:$0x1] =	stream.linear.gather [spmem:s7], $0x4000, $0x38;
	[tilespmem:$0x1F800] =	vst v63  }
0x6d: {  	s21 =	sadd.s32 $0x1, s21;
	_ =	swait.ge [sflag:s18], $0x4000  }
0x6e: {  	p0 =	sne.s32 s21, s16;
	[sflag:s18] =	ssyncset.done $0x0  }
.Ltmp1:
0x6f: {  	[sflag:s18] =	ssyncadd.s32 $0xFFFFC000;
	(pc) =	sbr.rel @p0 .LBB2_1-.Ltmp1, $4  }
0x70: {  	[hbm4b:s15+s2] =	stream.linear.scatter [tilespmem:s17], [sflag:$0x1], $0x4000, $0x38;
	[tilespmem:$0x1F800] =	vst v63  }
0x71: {  	_ =	swait.ge [sflag:s18], $0x4000  }
0x72: {  	[sflag:s18] =	ssyncset.done $0x0  }
0x73: {  	[sflag:s18] =	ssyncadd.s32 $0xFFFFC000  }
0x74: {  	_ =	sfence.sel $0x180000  }
0x75: {  	[bflag:$0x0] =	sbarrier.arrive $0xFFFF  }
0x76: {  	p0 =	sne.s32 s0, $0x0;
	_ =	strace $0x9000004A  }
0x77: {  	s0 =	sadd.s32 @!p0 $0x100000, s1;
	[bflag:$0x2] =	sbarrier.arrive $0xFFFF  }
0x78: {  	[sflag:s0] =	ssyncadd.tile.s32 @!p0 $0x1;
	_ =	shalt  }
.Lfunc_end2:
_tile_overlayer_lowered:
.L_overlay_start_2:
0x79: {  	(tag) =	ssettag $0x2  }
0x7a: {  	s0 =	rddreg [dreg:$0x0];
	s2 =	stileid.u32  }
0x7b: {  	s1 =	rddreg [dreg:$0x1];
	p0 =	sne.s32 s2, $0x0  }
0x7c: {  	s3 =	rddreg [dreg:$0x2];
	[bflag:$0x3] =	sbarrier.arrive $0xFFFF;
	s2 =	simm.s32 @!p0 $0x1C01  }
0x7d: {  	[timem:s3], [sflag:s2] =	dma.local @!p0 [hbm:s0], s1  }
0x7e: {  	s0 =	simm.s32 @!p0 $0x1  }
0x7f: {  	_ =	swait.ge @!p0 [sflag:s0], s1  }
0x80: {  	s1 =	ssub.s32 @!p0 $0x0, s1;
	[sflag:s0] =	ssyncset.done @!p0 $0x0  }
0x81: {  	[sflag:s0] =	ssyncadd.s32 @!p0 s1  }
0x82: {  	[bflag:$0x3] =	sbarrier.arrive $0xFFFF  }
0x83: {  	_ =	shalt  }

</sc_bundles>
